<compile_context>
chip_gen: v7x
topology: tpu7x:2x2x1
jax: 0.10.2.dev20260603
libtpu: 0.0.44.dev20260713+nightly
codegen_flags: <defaults>
</compile_context>

<pallas_src>
import functools
import math

import jax
import jax.numpy as jnp
from jax import lax
from jax.experimental import pallas as pl
from jax.experimental.pallas import tpu as pltpu
from jax.experimental.pallas import tpu_sc as plsc

F32 = jnp.float32

NC = 2
NS = 16
NW = NC * NS
CHUNK = 128
STRIPE = 640
CNTW = 8


def _sc_aggregate(n_pad, d, k_chunks, with_counts):
    mesh = plsc.VectorSubcoreMesh(core_axis_name="c", subcore_axis_name="s")
    out_type = [jax.ShapeDtypeStruct((NC, n_pad, d), F32)]
    scratch = [
        pltpu.VMEM((k_chunks, CHUNK), jnp.int32),
        pltpu.VMEM((k_chunks, CHUNK), jnp.int32),
        pltpu.VMEM((CHUNK, d), F32),
        pltpu.VMEM_SHARED((n_pad, d), F32),
        pltpu.SemaphoreType.DMA,
    ]
    if with_counts:
        out_type.append(jax.ShapeDtypeStruct((NC, n_pad, CNTW), F32))
        scratch += [
            pltpu.VMEM((CHUNK, CNTW), F32),
            pltpu.VMEM_SHARED((n_pad, CNTW), F32),
        ]

    @functools.partial(
        pl.kernel, mesh=mesh, out_type=out_type, scratch_types=scratch,
        compiler_params=pltpu.CompilerParams(use_tc_tiling_on_sc=False))
    def sc_kernel(table_hbm, src_hbm, dst_hbm, zeros_d_hbm, *rest):
        if with_counts:
            (zeros_c_hbm, ones_hbm, acc_out, cnt_out,
             src_v, dst_v, rows_v, acc_sh, sem, ones_v, cnt_sh) = rest
        else:
            acc_out, src_v, dst_v, rows_v, acc_sh, sem = rest
        c = lax.axis_index("c")
        s = lax.axis_index("s")
        wid = s * NC + c
        base = s * STRIPE
        pltpu.sync_copy(zeros_d_hbm.at[pl.ds(base, STRIPE)],
                        acc_sh.at[pl.ds(base, STRIPE)])
        if with_counts:
            pltpu.sync_copy(zeros_c_hbm.at[pl.ds(base, STRIPE)],
                            cnt_sh.at[pl.ds(base, STRIPE)])
            pltpu.sync_copy(ones_hbm, ones_v)
        pltpu.sync_copy(src_hbm.at[wid], src_v)
        pltpu.sync_copy(dst_hbm.at[wid], dst_v)
        plsc.subcore_barrier()

        def body(j, carry):
            pltpu.async_copy(table_hbm.at[src_v.at[j]], rows_v, sem).wait()
            pltpu.sync_copy(rows_v, acc_sh.at[dst_v.at[j]], add=True)
            if with_counts:
                pltpu.sync_copy(ones_v, cnt_sh.at[dst_v.at[j]], add=True)
            return carry

        lax.fori_loop(0, k_chunks, body, 0)
        plsc.subcore_barrier()
        pltpu.sync_copy(acc_sh.at[pl.ds(base, STRIPE)],
                        acc_out.at[c, pl.ds(base, STRIPE)])
        if with_counts:
            pltpu.sync_copy(cnt_sh.at[pl.ds(base, STRIPE)],
                            cnt_out.at[c, pl.ds(base, STRIPE)])

    return sc_kernel


def _tc_table(x_pad, w, b, n_pad, blk):
    d_in, d_out = w.shape

    def body(x_ref, w_ref, b_ref, o_ref):
        o_ref[...] = jnp.dot(x_ref[...], w_ref[...],
                             preferred_element_type=F32) + b_ref[...]

    return pl.pallas_call(
        body,
        grid=(n_pad // blk,),
        in_specs=[
            pl.BlockSpec((blk, d_in), lambda i: (i, 0)),
            pl.BlockSpec((d_in, d_out), lambda i: (0, 0)),
            pl.BlockSpec((1, d_out), lambda i: (0, 0)),
        ],
        out_specs=pl.BlockSpec((blk, d_out), lambda i: (i, 0)),
        out_shape=jax.ShapeDtypeStruct((n_pad, d_out), F32),
    )(x_pad, w, b.reshape(1, d_out))


def _tc_update(h, acc, cnt, w_x, w_a, b, w_next, b_next, n_pad, blk):
    d_in = h.shape[1]
    d_agg = acc.shape[2]
    d_out = w_x.shape[1]
    has_next = w_next is not None
    d_next = w_next.shape[1] if has_next else 0

    def body(h_ref, p_ref, c_ref, wx_ref, wa_ref, b_ref, *rest):
        if has_next:
            wn_ref, bn_ref, o_ref, on_ref = rest
        else:
            (o_ref,) = rest
        agg_sum = p_ref[0] + p_ref[1]
        cnt_col = c_ref[0, :, :1] + c_ref[1, :, :1]
        agg = agg_sum * (1.0 / jnp.maximum(cnt_col, 1.0))
        hn = jnp.dot(h_ref[...], wx_ref[...], preferred_element_type=F32)
        hn = hn + jnp.dot(agg, wa_ref[...], preferred_element_type=F32)
        hn = jnp.maximum(hn + b_ref[...], 0.0)
        o_ref[...] = hn
        if has_next:
            on_ref[...] = jnp.dot(hn, wn_ref[...],
                                  preferred_element_type=F32) + bn_ref[...]

    in_specs = [
        pl.BlockSpec((blk, d_in), lambda i: (i, 0)),
        pl.BlockSpec((NC, blk, d_agg), lambda i: (0, i, 0)),
        pl.BlockSpec((NC, blk, CNTW), lambda i: (0, i, 0)),
        pl.BlockSpec((d_in, d_out), lambda i: (0, 0)),
        pl.BlockSpec((d_agg, d_out), lambda i: (0, 0)),
        pl.BlockSpec((1, d_out), lambda i: (0, 0)),
    ]
    args = [h, acc, cnt, w_x, w_a, b.reshape(1, d_out)]
    out_specs = [pl.BlockSpec((blk, d_out), lambda i: (i, 0))]
    out_shape = [jax.ShapeDtypeStruct((n_pad, d_out), F32)]
    if has_next:
        in_specs += [
            pl.BlockSpec((d_out, d_next), lambda i: (0, 0)),
            pl.BlockSpec((1, d_next), lambda i: (0, 0)),
        ]
        args += [w_next, b_next.reshape(1, d_next)]
        out_specs.append(pl.BlockSpec((blk, d_next), lambda i: (i, 0)))
        out_shape.append(jax.ShapeDtypeStruct((n_pad, d_next), F32))

    res = pl.pallas_call(
        body,
        grid=(n_pad // blk,),
        in_specs=in_specs,
        out_specs=out_specs,
        out_shape=out_shape,
    )(*args)
    return res if has_next else (res[0], None)


def kernel(x, edge_index, W1a, b1a, W1b, b1b, W2a, b2a, W2b, b2b, Wl, bl):
    n, d = x.shape
    e = edge_index.shape[1]
    n_pad = NS * STRIPE
    blk = n_pad // NS

    k_chunks = math.ceil(e / (NW * CHUNK))
    e_pad = NW * k_chunks * CHUNK
    src_r = jnp.concatenate(
        [edge_index[0], jnp.zeros((e_pad - e,), jnp.int32)]).reshape(
            NW, k_chunks, CHUNK)
    dst_r = jnp.concatenate(
        [edge_index[1], jnp.full((e_pad - e,), n, jnp.int32)]).reshape(
            NW, k_chunks, CHUNK)

    x_pad = jnp.pad(x, ((0, n_pad - n), (0, 0)))
    d1 = W1a.shape[1]
    d2 = W2a.shape[1]
    zeros1 = jnp.zeros((n_pad, d1), F32)
    zeros2 = jnp.zeros((n_pad, d2), F32)
    zeros_c = jnp.zeros((n_pad, CNTW), F32)
    ones = jnp.ones((CHUNK, CNTW), F32)

    W1b_x, W1b_a = W1b[:d], W1b[d:]
    W2b_h, W2b_a = W2b[:d1], W2b[d1:]

    m1 = _tc_table(x_pad, W1a, b1a, n_pad, blk)
    acc1, cnt = _sc_aggregate(n_pad, d1, k_chunks, True)(
        m1, src_r, dst_r, zeros1, zeros_c, ones)
    h1, m2 = _tc_update(x_pad, acc1, cnt, W1b_x, W1b_a, b1b, W2a, b2a,
                        n_pad, blk)
    (acc2,) = _sc_aggregate(n_pad, d2, k_chunks, False)(m2, src_r, dst_r,
                                                        zeros2)
    h2, _ = _tc_update(h1, acc2, cnt, W2b_h, W2b_a, b2b, None, None,
                       n_pad, blk)

    def final_body(h_ref, w_ref, b_ref, o_ref):
        o_ref[...] = jnp.dot(h_ref[...], w_ref[...],
                             preferred_element_type=F32) + b_ref[...]

    y = pl.pallas_call(
        final_body,
        grid=(n_pad // blk,),
        in_specs=[
            pl.BlockSpec((blk, d2), lambda i: (i, 0)),
            pl.BlockSpec((d2, 1), lambda i: (0, 0)),
            pl.BlockSpec((1, 1), lambda i: (0, 0)),
        ],
        out_specs=pl.BlockSpec((blk, 1), lambda i: (i, 0)),
        out_shape=jax.ShapeDtypeStruct((n_pad, 1), F32),
    )(h2, Wl, bl.reshape(1, 1))
    return y[:n]

# --- scband reference (transcript-rebuilt; emitter-appended) ---
"""Pipeline reference for scband-fae-feat-graph-conv-56530359550725 (READ-ONLY COPY).

The authoritative reference and input builder live on the scoring server;
editing this copy changes nothing except your own understanding.
"""

import jax, jax.numpy as jnp
import numpy as np

N, E, D = 10000, 320000, 128

def setup_inputs(seed: int = 0) -> dict:
    key = jax.random.key(seed)
    ks = jax.random.split(key, 12)
    x = jax.random.normal(ks[0], (N, D), dtype=jnp.float32)
    edge_index = jax.random.randint(ks[1], (2, E), 0, N, dtype=jnp.int32)
    s = 0.05
    # conv1: FeatGraphConv(128, 64, 64)
    W1a = s * jax.random.normal(ks[2], (D, 64), dtype=jnp.float32)
    b1a = jnp.zeros((64,), dtype=jnp.float32)
    W1b = s * jax.random.normal(ks[3], (D + 64, 64), dtype=jnp.float32)
    b1b = jnp.zeros((64,), dtype=jnp.float32)
    # conv2: FeatGraphConv(64, 32, 32)
    W2a = s * jax.random.normal(ks[4], (64, 32), dtype=jnp.float32)
    b2a = jnp.zeros((32,), dtype=jnp.float32)
    W2b = s * jax.random.normal(ks[5], (64 + 32, 32), dtype=jnp.float32)
    b2b = jnp.zeros((32,), dtype=jnp.float32)
    # final Lin(32, 1)
    Wl = s * jax.random.normal(ks[6], (32, 1), dtype=jnp.float32)
    bl = jnp.zeros((1,), dtype=jnp.float32)
    return {"x": x, "edge_index": edge_index, "W1a": W1a, "b1a": b1a, "W1b": W1b, "b1b": b1b,
            "W2a": W2a, "b2a": b2a, "W2b": W2b, "b2b": b2b, "Wl": Wl, "bl": bl}

def _feat_graph_conv(h, src, dst, n_nodes, Wa, ba, Wb, bb):
    # message: lin1(x_j) for source nodes of each edge
    m = h[src] @ Wa + ba
    # aggr='mean' scatter onto destination nodes
    s = jax.ops.segment_sum(m, dst, num_segments=n_nodes)
    cnt = jax.ops.segment_sum(jnp.ones((dst.shape[0],), jnp.float32), dst, num_segments=n_nodes)
    agg = s / jnp.clip(cnt, 1.0, None)[:, None]
    # update: lin2(concat[x_i, aggregated])
    return jnp.concatenate([h, agg], axis=1) @ Wb + bb

def reference(x, edge_index, W1a, b1a, W1b, b1b, W2a, b2a, W2b, b2b, Wl, bl):
    src = edge_index[0]
    dst = edge_index[1]
    n_nodes = x.shape[0]
    h1 = jax.nn.relu(_feat_graph_conv(x, src, dst, n_nodes, W1a, b1a, W1b, b1b))
    h2 = jax.nn.relu(_feat_graph_conv(h1, src, dst, n_nodes, W2a, b2a, W2b, b2b))
    return h2 @ Wl + bl

if __name__ == "__main__":
    import jax
    _d = setup_inputs()
    print(jax.jit(kernel)(*tuple(_d.values())))

</pallas_src>

<mosaic_0001>
#map = affine_map<(d0, d1) -> (0, 0)>
#map1 = affine_map<(d0, d1) -> (0, 0, 0)>
module attributes {stable_mosaic.version = 14 : i64} {
  func.func @sc_kernel(%arg0: i32, %arg1: i32, %arg2: memref<10240x64xf32, #tpu.memory_space<hbm>>, %arg3: memref<32x79x128xi32, #tpu.memory_space<hbm>>, %arg4: memref<32x79x128xi32, #tpu.memory_space<hbm>>, %arg5: memref<10240x64xf32, #tpu.memory_space<hbm>>, %arg6: memref<10240x8xf32, #tpu.memory_space<hbm>>, %arg7: memref<128x8xf32, #tpu.memory_space<hbm>>, %arg8: memref<2x10240x64xf32, #tpu.memory_space<hbm>>, %arg9: memref<2x10240x8xf32, #tpu.memory_space<hbm>>, %arg10: memref<79x128xi32, #tpu.memory_space<vmem>>, %arg11: memref<79x128xi32, #tpu.memory_space<vmem>>, %arg12: memref<128x64xf32, #tpu.memory_space<vmem>>, %arg13: memref<10240x64xf32, #tpu.memory_space<vmem_shared>>, %arg14: memref<!tpu.dma_semaphore, #tpu.memory_space<semaphore_mem>>, %arg15: memref<128x8xf32, #tpu.memory_space<vmem>>, %arg16: memref<10240x8xf32, #tpu.memory_space<vmem_shared>>) attributes {dimension_semantics = [#tpu.dimension_semantics<core_parallel>, #tpu.dimension_semantics<subcore_parallel>], iteration_bounds = array<i64: 2, 16>, scalar_prefetch = 0 : i64, scratch_operands = 7 : i64, tpu.core_type = #tpu.core_type<sc_vector_subcore>, window_params = [{transform_indices = #map}, {transform_indices = #map1}, {transform_indices = #map1}, {transform_indices = #map}, {transform_indices = #map}, {transform_indices = #map}, {transform_indices = #map1}, {transform_indices = #map1}]} {
    %mul3A = arith.constant 2 : i32
    %mul3A_0 = arith.muli %arg1, %mul3A : i32
    %add3A = arith.addi %mul3A_0, %arg0 : i32
    %mul3A_1 = arith.constant 640 : i32
    %mul3A_2 = arith.muli %arg1, %mul3A_1 : i32
    "tpu.region"() ({
      %run_scoped3A = tpu.sem_alloc : memref<!tpu.dma_semaphore, #tpu.memory_space<semaphore_mem>>
      %dma_start3A = arith.constant 0 : i32
      %dma_start3A_9 = tpu.memref_slice %arg13[%mul3A_2, %dma_start3A] : memref<10240x64xf32, #tpu.memory_space<vmem_shared>> -> memref<640x64xf32, #tpu.memory_space<vmem_shared>>
      %dma_start3A_10 = arith.constant 0 : i32
      %dma_start3A_11 = tpu.memref_slice %arg5[%mul3A_2, %dma_start3A_10] : memref<10240x64xf32, #tpu.memory_space<hbm>> -> memref<640x64xf32, #tpu.memory_space<hbm>>
      tpu.enqueue_dma source(%dma_start3A_11 : memref<640x64xf32, #tpu.memory_space<hbm>>) target(%dma_start3A_9 : memref<640x64xf32, #tpu.memory_space<vmem_shared>>) target_semaphore(%run_scoped3A : memref<!tpu.dma_semaphore, #tpu.memory_space<semaphore_mem>>)
      %dma_wait3A = arith.constant 0 : i32
      %dma_wait3A_12 = tpu.memref_slice %arg13[%mul3A_2, %dma_wait3A] : memref<10240x64xf32, #tpu.memory_space<vmem_shared>> -> memref<640x64xf32, #tpu.memory_space<vmem_shared>>
      %dma_wait3A_13 = arith.constant 0 : i32
      %dma_wait3A_14 = tpu.memref_slice %arg5[%mul3A_2, %dma_wait3A_13] : memref<10240x64xf32, #tpu.memory_space<hbm>> -> memref<640x64xf32, #tpu.memory_space<hbm>>
      tpu.wait_dma2 semaphore(%run_scoped3A : memref<!tpu.dma_semaphore, #tpu.memory_space<semaphore_mem>>) src(%dma_wait3A_14 : memref<640x64xf32, #tpu.memory_space<hbm>>) dst(%dma_wait3A_12 : memref<640x64xf32, #tpu.memory_space<vmem_shared>>)
      tpu.yield
    }) : () -> ()
    "tpu.region"() ({
      %run_scoped3A = tpu.sem_alloc : memref<!tpu.dma_semaphore, #tpu.memory_space<semaphore_mem>>
      %dma_start3A = arith.constant 0 : i32
      %dma_start3A_9 = tpu.memref_slice %arg16[%mul3A_2, %dma_start3A] : memref<10240x8xf32, #tpu.memory_space<vmem_shared>> -> memref<640x8xf32, #tpu.memory_space<vmem_shared>>
      %dma_start3A_10 = arith.constant 0 : i32
      %dma_start3A_11 = tpu.memref_slice %arg6[%mul3A_2, %dma_start3A_10] : memref<10240x8xf32, #tpu.memory_space<hbm>> -> memref<640x8xf32, #tpu.memory_space<hbm>>
      tpu.enqueue_dma source(%dma_start3A_11 : memref<640x8xf32, #tpu.memory_space<hbm>>) target(%dma_start3A_9 : memref<640x8xf32, #tpu.memory_space<vmem_shared>>) target_semaphore(%run_scoped3A : memref<!tpu.dma_semaphore, #tpu.memory_space<semaphore_mem>>)
      %dma_wait3A = arith.constant 0 : i32
      %dma_wait3A_12 = tpu.memref_slice %arg16[%mul3A_2, %dma_wait3A] : memref<10240x8xf32, #tpu.memory_space<vmem_shared>> -> memref<640x8xf32, #tpu.memory_space<vmem_shared>>
      %dma_wait3A_13 = arith.constant 0 : i32
      %dma_wait3A_14 = tpu.memref_slice %arg6[%mul3A_2, %dma_wait3A_13] : memref<10240x8xf32, #tpu.memory_space<hbm>> -> memref<640x8xf32, #tpu.memory_space<hbm>>
      tpu.wait_dma2 semaphore(%run_scoped3A : memref<!tpu.dma_semaphore, #tpu.memory_space<semaphore_mem>>) src(%dma_wait3A_14 : memref<640x8xf32, #tpu.memory_space<hbm>>) dst(%dma_wait3A_12 : memref<640x8xf32, #tpu.memory_space<vmem_shared>>)
      tpu.yield
    }) : () -> ()
    "tpu.region"() ({
      %run_scoped3A = tpu.sem_alloc : memref<!tpu.dma_semaphore, #tpu.memory_space<semaphore_mem>>
      tpu.enqueue_dma source(%arg7 : memref<128x8xf32, #tpu.memory_space<hbm>>) target(%arg15 : memref<128x8xf32, #tpu.memory_space<vmem>>) target_semaphore(%run_scoped3A : memref<!tpu.dma_semaphore, #tpu.memory_space<semaphore_mem>>)
      tpu.wait_dma2 semaphore(%run_scoped3A : memref<!tpu.dma_semaphore, #tpu.memory_space<semaphore_mem>>) src(%arg7 : memref<128x8xf32, #tpu.memory_space<hbm>>) dst(%arg15 : memref<128x8xf32, #tpu.memory_space<vmem>>)
      tpu.yield
    }) : () -> ()
    "tpu.region"() ({
      %run_scoped3A = tpu.sem_alloc : memref<!tpu.dma_semaphore, #tpu.memory_space<semaphore_mem>>
      %dma_start3A = arith.constant 0 : i32
      %dma_start3A_9 = arith.constant 0 : i32
      %dma_start3A_10 = tpu.memref_slice %arg3[%add3A, %dma_start3A, %dma_start3A_9] : memref<32x79x128xi32, #tpu.memory_space<hbm>> -> memref<1x79x128xi32, #tpu.memory_space<hbm>>
      %dma_start3A_11 = tpu.memref_squeeze %dma_start3A_10 : memref<1x79x128xi32, #tpu.memory_space<hbm>> -> memref<79x128xi32, #tpu.memory_space<hbm>>
      %dma_start3A_12 = arith.constant 0 : i32
      %dma_start3A_13 = arith.constant 0 : i32
      %dma_start3A_14 = tpu.memref_slice %arg3[%add3A, %dma_start3A_12, %dma_start3A_13] : memref<32x79x128xi32, #tpu.memory_space<hbm>> -> memref<1x79x128xi32, #tpu.memory_space<hbm>>
      %dma_start3A_15 = tpu.memref_squeeze %dma_start3A_14 : memref<1x79x128xi32, #tpu.memory_space<hbm>> -> memref<79x128xi32, #tpu.memory_space<hbm>>
      tpu.enqueue_dma source(%dma_start3A_15 : memref<79x128xi32, #tpu.memory_space<hbm>>) target(%arg10 : memref<79x128xi32, #tpu.memory_space<vmem>>) target_semaphore(%run_scoped3A : memref<!tpu.dma_semaphore, #tpu.memory_space<semaphore_mem>>)
      %dma_wait3A = arith.constant 0 : i32
      %dma_wait3A_16 = arith.constant 0 : i32
      %dma_wait3A_17 = tpu.memref_slice %arg3[%add3A, %dma_wait3A, %dma_wait3A_16] : memref<32x79x128xi32, #tpu.memory_space<hbm>> -> memref<1x79x128xi32, #tpu.memory_space<hbm>>
      %dma_wait3A_18 = tpu.memref_squeeze %dma_wait3A_17 : memref<1x79x128xi32, #tpu.memory_space<hbm>> -> memref<79x128xi32, #tpu.memory_space<hbm>>
      %dma_wait3A_19 = arith.constant 0 : i32
      %dma_wait3A_20 = arith.constant 0 : i32
      %dma_wait3A_21 = tpu.memref_slice %arg3[%add3A, %dma_wait3A_19, %dma_wait3A_20] : memref<32x79x128xi32, #tpu.memory_space<hbm>> -> memref<1x79x128xi32, #tpu.memory_space<hbm>>
      %dma_wait3A_22 = tpu.memref_squeeze %dma_wait3A_21 : memref<1x79x128xi32, #tpu.memory_space<hbm>> -> memref<79x128xi32, #tpu.memory_space<hbm>>
      tpu.wait_dma2 semaphore(%run_scoped3A : memref<!tpu.dma_semaphore, #tpu.memory_space<semaphore_mem>>) src(%dma_wait3A_22 : memref<79x128xi32, #tpu.memory_space<hbm>>) dst(%arg10 : memref<79x128xi32, #tpu.memory_space<vmem>>)
      tpu.yield
    }) : () -> ()
    "tpu.region"() ({
      %run_scoped3A = tpu.sem_alloc : memref<!tpu.dma_semaphore, #tpu.memory_space<semaphore_mem>>
      %dma_start3A = arith.constant 0 : i32
      %dma_start3A_9 = arith.constant 0 : i32
      %dma_start3A_10 = tpu.memref_slice %arg4[%add3A, %dma_start3A, %dma_start3A_9] : memref<32x79x128xi32, #tpu.memory_space<hbm>> -> memref<1x79x128xi32, #tpu.memory_space<hbm>>
      %dma_start3A_11 = tpu.memref_squeeze %dma_start3A_10 : memref<1x79x128xi32, #tpu.memory_space<hbm>> -> memref<79x128xi32, #tpu.memory_space<hbm>>
      %dma_start3A_12 = arith.constant 0 : i32
      %dma_start3A_13 = arith.constant 0 : i32
      %dma_start3A_14 = tpu.memref_slice %arg4[%add3A, %dma_start3A_12, %dma_start3A_13] : memref<32x79x128xi32, #tpu.memory_space<hbm>> -> memref<1x79x128xi32, #tpu.memory_space<hbm>>
      %dma_start3A_15 = tpu.memref_squeeze %dma_start3A_14 : memref<1x79x128xi32, #tpu.memory_space<hbm>> -> memref<79x128xi32, #tpu.memory_space<hbm>>
      tpu.enqueue_dma source(%dma_start3A_15 : memref<79x128xi32, #tpu.memory_space<hbm>>) target(%arg11 : memref<79x128xi32, #tpu.memory_space<vmem>>) target_semaphore(%run_scoped3A : memref<!tpu.dma_semaphore, #tpu.memory_space<semaphore_mem>>)
      %dma_wait3A = arith.constant 0 : i32
      %dma_wait3A_16 = arith.constant 0 : i32
      %dma_wait3A_17 = tpu.memref_slice %arg4[%add3A, %dma_wait3A, %dma_wait3A_16] : memref<32x79x128xi32, #tpu.memory_space<hbm>> -> memref<1x79x128xi32, #tpu.memory_space<hbm>>
      %dma_wait3A_18 = tpu.memref_squeeze %dma_wait3A_17 : memref<1x79x128xi32, #tpu.memory_space<hbm>> -> memref<79x128xi32, #tpu.memory_space<hbm>>
      %dma_wait3A_19 = arith.constant 0 : i32
      %dma_wait3A_20 = arith.constant 0 : i32
      %dma_wait3A_21 = tpu.memref_slice %arg4[%add3A, %dma_wait3A_19, %dma_wait3A_20] : memref<32x79x128xi32, #tpu.memory_space<hbm>> -> memref<1x79x128xi32, #tpu.memory_space<hbm>>
      %dma_wait3A_22 = tpu.memref_squeeze %dma_wait3A_21 : memref<1x79x128xi32, #tpu.memory_space<hbm>> -> memref<79x128xi32, #tpu.memory_space<hbm>>
      tpu.wait_dma2 semaphore(%run_scoped3A : memref<!tpu.dma_semaphore, #tpu.memory_space<semaphore_mem>>) src(%dma_wait3A_22 : memref<79x128xi32, #tpu.memory_space<hbm>>) dst(%arg11 : memref<79x128xi32, #tpu.memory_space<vmem>>)
      tpu.yield
    }) : () -> ()
    %barrier3A = arith.constant 0 : index
    tpu.barrier barrier_id(%barrier3A)
    %scan3A = arith.constant 0 : i32
    %scan3A_3 = arith.constant 0 : i32
    %scan3A_4 = arith.constant 79 : i32
    %scan3A_5 = arith.addi %scan3A_3, %scan3A_4 : i32
    %scan3A_6 = arith.constant 1 : i32
    scf.for %scan3A_9 = %scan3A_3 to %scan3A_5 step %scan3A_6  : i32 {
      %dma_start3A = arith.constant 0 : i32
      %dma_start3A_10 = tpu.memref_slice %arg10[%scan3A_9, %dma_start3A] : memref<79x128xi32, #tpu.memory_space<vmem>> -> memref<1x128xi32, #tpu.memory_space<vmem>>
      %dma_start3A_11 = tpu.memref_squeeze %dma_start3A_10 : memref<1x128xi32, #tpu.memory_space<vmem>> -> memref<128xi32, #tpu.memory_space<vmem>>
      %dma_start3A_12 = arith.constant 0 : i32
      %dma_start3A_13 = arith.constant 0 : i32
      %dma_start3A_14 = tpu.memref_slice %arg2[%dma_start3A_12, %dma_start3A_13] : memref<10240x64xf32, #tpu.memory_space<hbm>> -> memref<10240x64xf32, #tpu.memory_space<hbm>>
      tpu.enqueue_indirect_dma source(%dma_start3A_14 : memref<10240x64xf32, #tpu.memory_space<hbm>>) target(%arg12 : memref<128x64xf32, #tpu.memory_space<vmem>>) offsets(%dma_start3A_11 : memref<128xi32, #tpu.memory_space<vmem>>) semaphore(%arg14 : memref<!tpu.dma_semaphore, #tpu.memory_space<semaphore_mem>>)
      %dma_wait3A = arith.constant 0 : i32
      %dma_wait3A_15 = tpu.memref_slice %arg10[%scan3A_9, %dma_wait3A] : memref<79x128xi32, #tpu.memory_space<vmem>> -> memref<1x128xi32, #tpu.memory_space<vmem>>
      %dma_wait3A_16 = tpu.memref_squeeze %dma_wait3A_15 : memref<1x128xi32, #tpu.memory_space<vmem>> -> memref<128xi32, #tpu.memory_space<vmem>>
      %dma_wait3A_17 = arith.constant 0 : i32
      %dma_wait3A_18 = arith.constant 0 : i32
      %dma_wait3A_19 = tpu.memref_slice %arg2[%dma_wait3A_17, %dma_wait3A_18] : memref<10240x64xf32, #tpu.memory_space<hbm>> -> memref<10240x64xf32, #tpu.memory_space<hbm>>
      tpu.wait_indirect_dma semaphore(%arg14 : memref<!tpu.dma_semaphore, #tpu.memory_space<semaphore_mem>>) src(%dma_wait3A_19 : memref<10240x64xf32, #tpu.memory_space<hbm>>) dst(%arg12 : memref<128x64xf32, #tpu.memory_space<vmem>>)
      "tpu.region"() ({
        %run_scoped3A = tpu.sem_alloc : memref<!tpu.dma_semaphore, #tpu.memory_space<semaphore_mem>>
        %dma_start3A_20 = arith.constant 0 : i32
        %dma_start3A_21 = tpu.memref_slice %arg11[%scan3A_9, %dma_start3A_20] : memref<79x128xi32, #tpu.memory_space<vmem>> -> memref<1x128xi32, #tpu.memory_space<vmem>>
        %dma_start3A_22 = tpu.memref_squeeze %dma_start3A_21 : memref<1x128xi32, #tpu.memory_space<vmem>> -> memref<128xi32, #tpu.memory_space<vmem>>
        %dma_start3A_23 = arith.constant 0 : i32
        %dma_start3A_24 = arith.constant 0 : i32
        %dma_start3A_25 = tpu.memref_slice %arg13[%dma_start3A_23, %dma_start3A_24] : memref<10240x64xf32, #tpu.memory_space<vmem_shared>> -> memref<10240x64xf32, #tpu.memory_space<vmem_shared>>
        tpu.enqueue_indirect_dma source(%arg12 : memref<128x64xf32, #tpu.memory_space<vmem>>) target(%dma_start3A_25 : memref<10240x64xf32, #tpu.memory_space<vmem_shared>>) offsets(%dma_start3A_22 : memref<128xi32, #tpu.memory_space<vmem>>) semaphore(%run_scoped3A : memref<!tpu.dma_semaphore, #tpu.memory_space<semaphore_mem>>) {add = true}
        %dma_wait3A_26 = arith.constant 0 : i32
        %dma_wait3A_27 = tpu.memref_slice %arg11[%scan3A_9, %dma_wait3A_26] : memref<79x128xi32, #tpu.memory_space<vmem>> -> memref<1x128xi32, #tpu.memory_space<vmem>>
        %dma_wait3A_28 = tpu.memref_squeeze %dma_wait3A_27 : memref<1x128xi32, #tpu.memory_space<vmem>> -> memref<128xi32, #tpu.memory_space<vmem>>
        %dma_wait3A_29 = arith.constant 0 : i32
        %dma_wait3A_30 = arith.constant 0 : i32
        %dma_wait3A_31 = tpu.memref_slice %arg13[%dma_wait3A_29, %dma_wait3A_30] : memref<10240x64xf32, #tpu.memory_space<vmem_shared>> -> memref<10240x64xf32, #tpu.memory_space<vmem_shared>>
        tpu.wait_indirect_dma semaphore(%run_scoped3A : memref<!tpu.dma_semaphore, #tpu.memory_space<semaphore_mem>>) src(%arg12 : memref<128x64xf32, #tpu.memory_space<vmem>>) dst(%dma_wait3A_31 : memref<10240x64xf32, #tpu.memory_space<vmem_shared>>)
        tpu.yield
      }) : () -> ()
      "tpu.region"() ({
        %run_scoped3A = tpu.sem_alloc : memref<!tpu.dma_semaphore, #tpu.memory_space<semaphore_mem>>
        %dma_start3A_20 = arith.constant 0 : i32
        %dma_start3A_21 = tpu.memref_slice %arg11[%scan3A_9, %dma_start3A_20] : memref<79x128xi32, #tpu.memory_space<vmem>> -> memref<1x128xi32, #tpu.memory_space<vmem>>
        %dma_start3A_22 = tpu.memref_squeeze %dma_start3A_21 : memref<1x128xi32, #tpu.memory_space<vmem>> -> memref<128xi32, #tpu.memory_space<vmem>>
        %dma_start3A_23 = arith.constant 0 : i32
        %dma_start3A_24 = arith.constant 0 : i32
        %dma_start3A_25 = tpu.memref_slice %arg16[%dma_start3A_23, %dma_start3A_24] : memref<10240x8xf32, #tpu.memory_space<vmem_shared>> -> memref<10240x8xf32, #tpu.memory_space<vmem_shared>>
        tpu.enqueue_indirect_dma source(%arg15 : memref<128x8xf32, #tpu.memory_space<vmem>>) target(%dma_start3A_25 : memref<10240x8xf32, #tpu.memory_space<vmem_shared>>) offsets(%dma_start3A_22 : memref<128xi32, #tpu.memory_space<vmem>>) semaphore(%run_scoped3A : memref<!tpu.dma_semaphore, #tpu.memory_space<semaphore_mem>>) {add = true}
        %dma_wait3A_26 = arith.constant 0 : i32
        %dma_wait3A_27 = tpu.memref_slice %arg11[%scan3A_9, %dma_wait3A_26] : memref<79x128xi32, #tpu.memory_space<vmem>> -> memref<1x128xi32, #tpu.memory_space<vmem>>
        %dma_wait3A_28 = tpu.memref_squeeze %dma_wait3A_27 : memref<1x128xi32, #tpu.memory_space<vmem>> -> memref<128xi32, #tpu.memory_space<vmem>>
        %dma_wait3A_29 = arith.constant 0 : i32
        %dma_wait3A_30 = arith.constant 0 : i32
        %dma_wait3A_31 = tpu.memref_slice %arg16[%dma_wait3A_29, %dma_wait3A_30] : memref<10240x8xf32, #tpu.memory_space<vmem_shared>> -> memref<10240x8xf32, #tpu.memory_space<vmem_shared>>
        tpu.wait_indirect_dma semaphore(%run_scoped3A : memref<!tpu.dma_semaphore, #tpu.memory_space<semaphore_mem>>) src(%arg15 : memref<128x8xf32, #tpu.memory_space<vmem>>) dst(%dma_wait3A_31 : memref<10240x8xf32, #tpu.memory_space<vmem_shared>>)
        tpu.yield
      }) : () -> ()
    }
    %scan3A_7 = arith.constant 79 : i32
    %barrier3A_8 = arith.constant 0 : index
    tpu.barrier barrier_id(%barrier3A_8)
    "tpu.region"() ({
      %run_scoped3A = tpu.sem_alloc : memref<!tpu.dma_semaphore, #tpu.memory_space<semaphore_mem>>
      %dma_start3A = arith.constant 0 : i32
      %dma_start3A_9 = tpu.memref_slice %arg8[%arg0, %mul3A_2, %dma_start3A] : memref<2x10240x64xf32, #tpu.memory_space<hbm>> -> memref<1x640x64xf32, #tpu.memory_space<hbm>>
      %dma_start3A_10 = tpu.memref_squeeze %dma_start3A_9 : memref<1x640x64xf32, #tpu.memory_space<hbm>> -> memref<640x64xf32, #tpu.memory_space<hbm>>
      %dma_start3A_11 = arith.constant 0 : i32
      %dma_start3A_12 = tpu.memref_slice %arg13[%mul3A_2, %dma_start3A_11] : memref<10240x64xf32, #tpu.memory_space<vmem_shared>> -> memref<640x64xf32, #tpu.memory_space<vmem_shared>>
      tpu.enqueue_dma source(%dma_start3A_12 : memref<640x64xf32, #tpu.memory_space<vmem_shared>>) target(%dma_start3A_10 : memref<640x64xf32, #tpu.memory_space<hbm>>) target_semaphore(%run_scoped3A : memref<!tpu.dma_semaphore, #tpu.memory_space<semaphore_mem>>)
      %dma_wait3A = arith.constant 0 : i32
      %dma_wait3A_13 = tpu.memref_slice %arg8[%arg0, %mul3A_2, %dma_wait3A] : memref<2x10240x64xf32, #tpu.memory_space<hbm>> -> memref<1x640x64xf32, #tpu.memory_space<hbm>>
      %dma_wait3A_14 = tpu.memref_squeeze %dma_wait3A_13 : memref<1x640x64xf32, #tpu.memory_space<hbm>> -> memref<640x64xf32, #tpu.memory_space<hbm>>
      %dma_wait3A_15 = arith.constant 0 : i32
      %dma_wait3A_16 = tpu.memref_slice %arg13[%mul3A_2, %dma_wait3A_15] : memref<10240x64xf32, #tpu.memory_space<vmem_shared>> -> memref<640x64xf32, #tpu.memory_space<vmem_shared>>
      tpu.wait_dma2 semaphore(%run_scoped3A : memref<!tpu.dma_semaphore, #tpu.memory_space<semaphore_mem>>) src(%dma_wait3A_16 : memref<640x64xf32, #tpu.memory_space<vmem_shared>>) dst(%dma_wait3A_14 : memref<640x64xf32, #tpu.memory_space<hbm>>)
      tpu.yield
    }) : () -> ()
    "tpu.region"() ({
      %run_scoped3A = tpu.sem_alloc : memref<!tpu.dma_semaphore, #tpu.memory_space<semaphore_mem>>
      %dma_start3A = arith.constant 0 : i32
      %dma_start3A_9 = tpu.memref_slice %arg9[%arg0, %mul3A_2, %dma_start3A] : memref<2x10240x8xf32, #tpu.memory_space<hbm>> -> memref<1x640x8xf32, #tpu.memory_space<hbm>>
      %dma_start3A_10 = tpu.memref_squeeze %dma_start3A_9 : memref<1x640x8xf32, #tpu.memory_space<hbm>> -> memref<640x8xf32, #tpu.memory_space<hbm>>
      %dma_start3A_11 = arith.constant 0 : i32
      %dma_start3A_12 = tpu.memref_slice %arg16[%mul3A_2, %dma_start3A_11] : memref<10240x8xf32, #tpu.memory_space<vmem_shared>> -> memref<640x8xf32, #tpu.memory_space<vmem_shared>>
      tpu.enqueue_dma source(%dma_start3A_12 : memref<640x8xf32, #tpu.memory_space<vmem_shared>>) target(%dma_start3A_10 : memref<640x8xf32, #tpu.memory_space<hbm>>) target_semaphore(%run_scoped3A : memref<!tpu.dma_semaphore, #tpu.memory_space<semaphore_mem>>)
      %dma_wait3A = arith.constant 0 : i32
      %dma_wait3A_13 = tpu.memref_slice %arg9[%arg0, %mul3A_2, %dma_wait3A] : memref<2x10240x8xf32, #tpu.memory_space<hbm>> -> memref<1x640x8xf32, #tpu.memory_space<hbm>>
      %dma_wait3A_14 = tpu.memref_squeeze %dma_wait3A_13 : memref<1x640x8xf32, #tpu.memory_space<hbm>> -> memref<640x8xf32, #tpu.memory_space<hbm>>
      %dma_wait3A_15 = arith.constant 0 : i32
      %dma_wait3A_16 = tpu.memref_slice %arg16[%mul3A_2, %dma_wait3A_15] : memref<10240x8xf32, #tpu.memory_space<vmem_shared>> -> memref<640x8xf32, #tpu.memory_space<vmem_shared>>
      tpu.wait_dma2 semaphore(%run_scoped3A : memref<!tpu.dma_semaphore, #tpu.memory_space<semaphore_mem>>) src(%dma_wait3A_16 : memref<640x8xf32, #tpu.memory_space<vmem_shared>>) dst(%dma_wait3A_14 : memref<640x8xf32, #tpu.memory_space<hbm>>)
      tpu.yield
    }) : () -> ()
    return
  }
}

#map = affine_map<(d0, d1) -> (0, 0)>
#map1 = affine_map<(d0, d1) -> (0, 0, 0)>
module attributes {stable_mosaic.version = 14 : i64} {
  func.func @sc_kernel(%arg0: i32, %arg1: i32, %arg2: memref<10240x32xf32, #tpu.memory_space<hbm>>, %arg3: memref<32x79x128xi32, #tpu.memory_space<hbm>>, %arg4: memref<32x79x128xi32, #tpu.memory_space<hbm>>, %arg5: memref<10240x32xf32, #tpu.memory_space<hbm>>, %arg6: memref<2x10240x32xf32, #tpu.memory_space<hbm>>, %arg7: memref<79x128xi32, #tpu.memory_space<vmem>>, %arg8: memref<79x128xi32, #tpu.memory_space<vmem>>, %arg9: memref<128x32xf32, #tpu.memory_space<vmem>>, %arg10: memref<10240x32xf32, #tpu.memory_space<vmem_shared>>, %arg11: memref<!tpu.dma_semaphore, #tpu.memory_space<semaphore_mem>>) attributes {dimension_semantics = [#tpu.dimension_semantics<core_parallel>, #tpu.dimension_semantics<subcore_parallel>], iteration_bounds = array<i64: 2, 16>, scalar_prefetch = 0 : i64, scratch_operands = 5 : i64, tpu.core_type = #tpu.core_type<sc_vector_subcore>, window_params = [{transform_indices = #map}, {transform_indices = #map1}, {transform_indices = #map1}, {transform_indices = #map}, {transform_indices = #map1}]} {
    %mul3A = arith.constant 2 : i32
    %mul3A_0 = arith.muli %arg1, %mul3A : i32
    %add3A = arith.addi %mul3A_0, %arg0 : i32
    %mul3A_1 = arith.constant 640 : i32
    %mul3A_2 = arith.muli %arg1, %mul3A_1 : i32
    "tpu.region"() ({
      %run_scoped3A = tpu.sem_alloc : memref<!tpu.dma_semaphore, #tpu.memory_space<semaphore_mem>>
      %dma_start3A = arith.constant 0 : i32
      %dma_start3A_9 = tpu.memref_slice %arg10[%mul3A_2, %dma_start3A] : memref<10240x32xf32, #tpu.memory_space<vmem_shared>> -> memref<640x32xf32, #tpu.memory_space<vmem_shared>>
      %dma_start3A_10 = arith.constant 0 : i32
      %dma_start3A_11 = tpu.memref_slice %arg5[%mul3A_2, %dma_start3A_10] : memref<10240x32xf32, #tpu.memory_space<hbm>> -> memref<640x32xf32, #tpu.memory_space<hbm>>
      tpu.enqueue_dma source(%dma_start3A_11 : memref<640x32xf32, #tpu.memory_space<hbm>>) target(%dma_start3A_9 : memref<640x32xf32, #tpu.memory_space<vmem_shared>>) target_semaphore(%run_scoped3A : memref<!tpu.dma_semaphore, #tpu.memory_space<semaphore_mem>>)
      %dma_wait3A = arith.constant 0 : i32
      %dma_wait3A_12 = tpu.memref_slice %arg10[%mul3A_2, %dma_wait3A] : memref<10240x32xf32, #tpu.memory_space<vmem_shared>> -> memref<640x32xf32, #tpu.memory_space<vmem_shared>>
      %dma_wait3A_13 = arith.constant 0 : i32
      %dma_wait3A_14 = tpu.memref_slice %arg5[%mul3A_2, %dma_wait3A_13] : memref<10240x32xf32, #tpu.memory_space<hbm>> -> memref<640x32xf32, #tpu.memory_space<hbm>>
      tpu.wait_dma2 semaphore(%run_scoped3A : memref<!tpu.dma_semaphore, #tpu.memory_space<semaphore_mem>>) src(%dma_wait3A_14 : memref<640x32xf32, #tpu.memory_space<hbm>>) dst(%dma_wait3A_12 : memref<640x32xf32, #tpu.memory_space<vmem_shared>>)
      tpu.yield
    }) : () -> ()
    "tpu.region"() ({
      %run_scoped3A = tpu.sem_alloc : memref<!tpu.dma_semaphore, #tpu.memory_space<semaphore_mem>>
      %dma_start3A = arith.constant 0 : i32
      %dma_start3A_9 = arith.constant 0 : i32
      %dma_start3A_10 = tpu.memref_slice %arg3[%add3A, %dma_start3A, %dma_start3A_9] : memref<32x79x128xi32, #tpu.memory_space<hbm>> -> memref<1x79x128xi32, #tpu.memory_space<hbm>>
      %dma_start3A_11 = tpu.memref_squeeze %dma_start3A_10 : memref<1x79x128xi32, #tpu.memory_space<hbm>> -> memref<79x128xi32, #tpu.memory_space<hbm>>
      %dma_start3A_12 = arith.constant 0 : i32
      %dma_start3A_13 = arith.constant 0 : i32
      %dma_start3A_14 = tpu.memref_slice %arg3[%add3A, %dma_start3A_12, %dma_start3A_13] : memref<32x79x128xi32, #tpu.memory_space<hbm>> -> memref<1x79x128xi32, #tpu.memory_space<hbm>>
      %dma_start3A_15 = tpu.memref_squeeze %dma_start3A_14 : memref<1x79x128xi32, #tpu.memory_space<hbm>> -> memref<79x128xi32, #tpu.memory_space<hbm>>
      tpu.enqueue_dma source(%dma_start3A_15 : memref<79x128xi32, #tpu.memory_space<hbm>>) target(%arg7 : memref<79x128xi32, #tpu.memory_space<vmem>>) target_semaphore(%run_scoped3A : memref<!tpu.dma_semaphore, #tpu.memory_space<semaphore_mem>>)
      %dma_wait3A = arith.constant 0 : i32
      %dma_wait3A_16 = arith.constant 0 : i32
      %dma_wait3A_17 = tpu.memref_slice %arg3[%add3A, %dma_wait3A, %dma_wait3A_16] : memref<32x79x128xi32, #tpu.memory_space<hbm>> -> memref<1x79x128xi32, #tpu.memory_space<hbm>>
      %dma_wait3A_18 = tpu.memref_squeeze %dma_wait3A_17 : memref<1x79x128xi32, #tpu.memory_space<hbm>> -> memref<79x128xi32, #tpu.memory_space<hbm>>
      %dma_wait3A_19 = arith.constant 0 : i32
      %dma_wait3A_20 = arith.constant 0 : i32
      %dma_wait3A_21 = tpu.memref_slice %arg3[%add3A, %dma_wait3A_19, %dma_wait3A_20] : memref<32x79x128xi32, #tpu.memory_space<hbm>> -> memref<1x79x128xi32, #tpu.memory_space<hbm>>
      %dma_wait3A_22 = tpu.memref_squeeze %dma_wait3A_21 : memref<1x79x128xi32, #tpu.memory_space<hbm>> -> memref<79x128xi32, #tpu.memory_space<hbm>>
      tpu.wait_dma2 semaphore(%run_scoped3A : memref<!tpu.dma_semaphore, #tpu.memory_space<semaphore_mem>>) src(%dma_wait3A_22 : memref<79x128xi32, #tpu.memory_space<hbm>>) dst(%arg7 : memref<79x128xi32, #tpu.memory_space<vmem>>)
      tpu.yield
    }) : () -> ()
    "tpu.region"() ({
      %run_scoped3A = tpu.sem_alloc : memref<!tpu.dma_semaphore, #tpu.memory_space<semaphore_mem>>
      %dma_start3A = arith.constant 0 : i32
      %dma_start3A_9 = arith.constant 0 : i32
      %dma_start3A_10 = tpu.memref_slice %arg4[%add3A, %dma_start3A, %dma_start3A_9] : memref<32x79x128xi32, #tpu.memory_space<hbm>> -> memref<1x79x128xi32, #tpu.memory_space<hbm>>
      %dma_start3A_11 = tpu.memref_squeeze %dma_start3A_10 : memref<1x79x128xi32, #tpu.memory_space<hbm>> -> memref<79x128xi32, #tpu.memory_space<hbm>>
      %dma_start3A_12 = arith.constant 0 : i32
      %dma_start3A_13 = arith.constant 0 : i32
      %dma_start3A_14 = tpu.memref_slice %arg4[%add3A, %dma_start3A_12, %dma_start3A_13] : memref<32x79x128xi32, #tpu.memory_space<hbm>> -> memref<1x79x128xi32, #tpu.memory_space<hbm>>
      %dma_start3A_15 = tpu.memref_squeeze %dma_start3A_14 : memref<1x79x128xi32, #tpu.memory_space<hbm>> -> memref<79x128xi32, #tpu.memory_space<hbm>>
      tpu.enqueue_dma source(%dma_start3A_15 : memref<79x128xi32, #tpu.memory_space<hbm>>) target(%arg8 : memref<79x128xi32, #tpu.memory_space<vmem>>) target_semaphore(%run_scoped3A : memref<!tpu.dma_semaphore, #tpu.memory_space<semaphore_mem>>)
      %dma_wait3A = arith.constant 0 : i32
      %dma_wait3A_16 = arith.constant 0 : i32
      %dma_wait3A_17 = tpu.memref_slice %arg4[%add3A, %dma_wait3A, %dma_wait3A_16] : memref<32x79x128xi32, #tpu.memory_space<hbm>> -> memref<1x79x128xi32, #tpu.memory_space<hbm>>
      %dma_wait3A_18 = tpu.memref_squeeze %dma_wait3A_17 : memref<1x79x128xi32, #tpu.memory_space<hbm>> -> memref<79x128xi32, #tpu.memory_space<hbm>>
      %dma_wait3A_19 = arith.constant 0 : i32
      %dma_wait3A_20 = arith.constant 0 : i32
      %dma_wait3A_21 = tpu.memref_slice %arg4[%add3A, %dma_wait3A_19, %dma_wait3A_20] : memref<32x79x128xi32, #tpu.memory_space<hbm>> -> memref<1x79x128xi32, #tpu.memory_space<hbm>>
      %dma_wait3A_22 = tpu.memref_squeeze %dma_wait3A_21 : memref<1x79x128xi32, #tpu.memory_space<hbm>> -> memref<79x128xi32, #tpu.memory_space<hbm>>
      tpu.wait_dma2 semaphore(%run_scoped3A : memref<!tpu.dma_semaphore, #tpu.memory_space<semaphore_mem>>) src(%dma_wait3A_22 : memref<79x128xi32, #tpu.memory_space<hbm>>) dst(%arg8 : memref<79x128xi32, #tpu.memory_space<vmem>>)
      tpu.yield
    }) : () -> ()
    %barrier3A = arith.constant 0 : index
    tpu.barrier barrier_id(%barrier3A)
    %scan3A = arith.constant 0 : i32
    %scan3A_3 = arith.constant 0 : i32
    %scan3A_4 = arith.constant 79 : i32
    %scan3A_5 = arith.addi %scan3A_3, %scan3A_4 : i32
    %scan3A_6 = arith.constant 1 : i32
    scf.for %scan3A_9 = %scan3A_3 to %scan3A_5 step %scan3A_6  : i32 {
      %dma_start3A = arith.constant 0 : i32
      %dma_start3A_10 = tpu.memref_slice %arg7[%scan3A_9, %dma_start3A] : memref<79x128xi32, #tpu.memory_space<vmem>> -> memref<1x128xi32, #tpu.memory_space<vmem>>
      %dma_start3A_11 = tpu.memref_squeeze %dma_start3A_10 : memref<1x128xi32, #tpu.memory_space<vmem>> -> memref<128xi32, #tpu.memory_space<vmem>>
      %dma_start3A_12 = arith.constant 0 : i32
      %dma_start3A_13 = arith.constant 0 : i32
      %dma_start3A_14 = tpu.memref_slice %arg2[%dma_start3A_12, %dma_start3A_13] : memref<10240x32xf32, #tpu.memory_space<hbm>> -> memref<10240x32xf32, #tpu.memory_space<hbm>>
      tpu.enqueue_indirect_dma source(%dma_start3A_14 : memref<10240x32xf32, #tpu.memory_space<hbm>>) target(%arg9 : memref<128x32xf32, #tpu.memory_space<vmem>>) offsets(%dma_start3A_11 : memref<128xi32, #tpu.memory_space<vmem>>) semaphore(%arg11 : memref<!tpu.dma_semaphore, #tpu.memory_space<semaphore_mem>>)
      %dma_wait3A = arith.constant 0 : i32
      %dma_wait3A_15 = tpu.memref_slice %arg7[%scan3A_9, %dma_wait3A] : memref<79x128xi32, #tpu.memory_space<vmem>> -> memref<1x128xi32, #tpu.memory_space<vmem>>
      %dma_wait3A_16 = tpu.memref_squeeze %dma_wait3A_15 : memref<1x128xi32, #tpu.memory_space<vmem>> -> memref<128xi32, #tpu.memory_space<vmem>>
      %dma_wait3A_17 = arith.constant 0 : i32
      %dma_wait3A_18 = arith.constant 0 : i32
      %dma_wait3A_19 = tpu.memref_slice %arg2[%dma_wait3A_17, %dma_wait3A_18] : memref<10240x32xf32, #tpu.memory_space<hbm>> -> memref<10240x32xf32, #tpu.memory_space<hbm>>
      tpu.wait_indirect_dma semaphore(%arg11 : memref<!tpu.dma_semaphore, #tpu.memory_space<semaphore_mem>>) src(%dma_wait3A_19 : memref<10240x32xf32, #tpu.memory_space<hbm>>) dst(%arg9 : memref<128x32xf32, #tpu.memory_space<vmem>>)
      "tpu.region"() ({
        %run_scoped3A = tpu.sem_alloc : memref<!tpu.dma_semaphore, #tpu.memory_space<semaphore_mem>>
        %dma_start3A_20 = arith.constant 0 : i32
        %dma_start3A_21 = tpu.memref_slice %arg8[%scan3A_9, %dma_start3A_20] : memref<79x128xi32, #tpu.memory_space<vmem>> -> memref<1x128xi32, #tpu.memory_space<vmem>>
        %dma_start3A_22 = tpu.memref_squeeze %dma_start3A_21 : memref<1x128xi32, #tpu.memory_space<vmem>> -> memref<128xi32, #tpu.memory_space<vmem>>
        %dma_start3A_23 = arith.constant 0 : i32
        %dma_start3A_24 = arith.constant 0 : i32
        %dma_start3A_25 = tpu.memref_slice %arg10[%dma_start3A_23, %dma_start3A_24] : memref<10240x32xf32, #tpu.memory_space<vmem_shared>> -> memref<10240x32xf32, #tpu.memory_space<vmem_shared>>
        tpu.enqueue_indirect_dma source(%arg9 : memref<128x32xf32, #tpu.memory_space<vmem>>) target(%dma_start3A_25 : memref<10240x32xf32, #tpu.memory_space<vmem_shared>>) offsets(%dma_start3A_22 : memref<128xi32, #tpu.memory_space<vmem>>) semaphore(%run_scoped3A : memref<!tpu.dma_semaphore, #tpu.memory_space<semaphore_mem>>) {add = true}
        %dma_wait3A_26 = arith.constant 0 : i32
        %dma_wait3A_27 = tpu.memref_slice %arg8[%scan3A_9, %dma_wait3A_26] : memref<79x128xi32, #tpu.memory_space<vmem>> -> memref<1x128xi32, #tpu.memory_space<vmem>>
        %dma_wait3A_28 = tpu.memref_squeeze %dma_wait3A_27 : memref<1x128xi32, #tpu.memory_space<vmem>> -> memref<128xi32, #tpu.memory_space<vmem>>
        %dma_wait3A_29 = arith.constant 0 : i32
        %dma_wait3A_30 = arith.constant 0 : i32
        %dma_wait3A_31 = tpu.memref_slice %arg10[%dma_wait3A_29, %dma_wait3A_30] : memref<10240x32xf32, #tpu.memory_space<vmem_shared>> -> memref<10240x32xf32, #tpu.memory_space<vmem_shared>>
        tpu.wait_indirect_dma semaphore(%run_scoped3A : memref<!tpu.dma_semaphore, #tpu.memory_space<semaphore_mem>>) src(%arg9 : memref<128x32xf32, #tpu.memory_space<vmem>>) dst(%dma_wait3A_31 : memref<10240x32xf32, #tpu.memory_space<vmem_shared>>)
        tpu.yield
      }) : () -> ()
    }
    %scan3A_7 = arith.constant 79 : i32
    %barrier3A_8 = arith.constant 0 : index
    tpu.barrier barrier_id(%barrier3A_8)
    "tpu.region"() ({
      %run_scoped3A = tpu.sem_alloc : memref<!tpu.dma_semaphore, #tpu.memory_space<semaphore_mem>>
      %dma_start3A = arith.constant 0 : i32
      %dma_start3A_9 = tpu.memref_slice %arg6[%arg0, %mul3A_2, %dma_start3A] : memref<2x10240x32xf32, #tpu.memory_space<hbm>> -> memref<1x640x32xf32, #tpu.memory_space<hbm>>
      %dma_start3A_10 = tpu.memref_squeeze %dma_start3A_9 : memref<1x640x32xf32, #tpu.memory_space<hbm>> -> memref<640x32xf32, #tpu.memory_space<hbm>>
      %dma_start3A_11 = arith.constant 0 : i32
      %dma_start3A_12 = tpu.memref_slice %arg10[%mul3A_2, %dma_start3A_11] : memref<10240x32xf32, #tpu.memory_space<vmem_shared>> -> memref<640x32xf32, #tpu.memory_space<vmem_shared>>
      tpu.enqueue_dma source(%dma_start3A_12 : memref<640x32xf32, #tpu.memory_space<vmem_shared>>) target(%dma_start3A_10 : memref<640x32xf32, #tpu.memory_space<hbm>>) target_semaphore(%run_scoped3A : memref<!tpu.dma_semaphore, #tpu.memory_space<semaphore_mem>>)
      %dma_wait3A = arith.constant 0 : i32
      %dma_wait3A_13 = tpu.memref_slice %arg6[%arg0, %mul3A_2, %dma_wait3A] : memref<2x10240x32xf32, #tpu.memory_space<hbm>> -> memref<1x640x32xf32, #tpu.memory_space<hbm>>
      %dma_wait3A_14 = tpu.memref_squeeze %dma_wait3A_13 : memref<1x640x32xf32, #tpu.memory_space<hbm>> -> memref<640x32xf32, #tpu.memory_space<hbm>>
      %dma_wait3A_15 = arith.constant 0 : i32
      %dma_wait3A_16 = tpu.memref_slice %arg10[%mul3A_2, %dma_wait3A_15] : memref<10240x32xf32, #tpu.memory_space<vmem_shared>> -> memref<640x32xf32, #tpu.memory_space<vmem_shared>>
      tpu.wait_dma2 semaphore(%run_scoped3A : memref<!tpu.dma_semaphore, #tpu.memory_space<semaphore_mem>>) src(%dma_wait3A_16 : memref<640x32xf32, #tpu.memory_space<vmem_shared>>) dst(%dma_wait3A_14 : memref<640x32xf32, #tpu.memory_space<hbm>>)
      tpu.yield
    }) : () -> ()
    return
  }
}

module attributes {stable_mosaic.version = 14 : i64} {
  func.func @body(%arg0: i32, %arg1: memref<640x128xf32, #tpu.memory_space<vmem>>, %arg2: memref<128x64xf32, #tpu.memory_space<vmem>>, %arg3: memref<1x64xf32, #tpu.memory_space<vmem>>, %arg4: memref<640x64xf32, #tpu.memory_space<vmem>>) attributes {dimension_semantics = [#tpu.dimension_semantics<arbitrary>], iteration_bounds = array<i64: 16>, scalar_prefetch = 0 : i64, scratch_operands = 0 : i64, tpu.core_type = #tpu.core_type<tc>, window_params = [{transform_indices = @transform_0, window_bounds = array<i64: 640, 128>}, {pipeline_mode = #tpu.pipeline_mode<synchronous>, transform_indices = @transform_1, window_bounds = array<i64: 128, 64>}, {pipeline_mode = #tpu.pipeline_mode<synchronous>, transform_indices = @transform_2, window_bounds = array<i64: 1, 64>}, {transform_indices = @transform_3, window_bounds = array<i64: 640, 64>}]} {
    %get3A = arith.constant 0 : index
    %get3A_0 = arith.constant 0 : index
    %get3A_1 = vector.load %arg1[%get3A, %get3A_0] : memref<640x128xf32, #tpu.memory_space<vmem>>, vector<640x128xf32>
    %get3A_2 = arith.constant 0 : index
    %get3A_3 = arith.constant 0 : index
    %get3A_4 = vector.load %arg2[%get3A_2, %get3A_3] : memref<128x64xf32, #tpu.memory_space<vmem>>, vector<128x64xf32>
    %dot_general3A = arith.constant dense<0.000000e+00> : vector<640x64xf32>
    %dot_general3A_5 = tpu.matmul %get3A_1, %get3A_4, %dot_general3A {dimension_numbers = #tpu.dot_dimension_numbers<[1], [0], [0], [1], [0, 0, 1, 1], [], []>, transpose_lhs_hint = false} : vector<640x128xf32>, vector<128x64xf32>, vector<640x64xf32> -> vector<640x64xf32>
    %get3A_6 = arith.constant 0 : index
    %get3A_7 = arith.constant 0 : index
    %get3A_8 = vector.load %arg3[%get3A_6, %get3A_7] : memref<1x64xf32, #tpu.memory_space<vmem>>, vector<1x64xf32>
    %add3A = vector.broadcast %get3A_8 : vector<1x64xf32> to vector<640x64xf32>
    %add3A_9 = arith.addf %dot_general3A_5, %add3A : vector<640x64xf32>
    %swap3A = arith.constant 0 : index
    %swap3A_10 = arith.constant 0 : index
    %swap3A_11 = vector.load %arg4[%swap3A, %swap3A_10] : memref<640x64xf32, #tpu.memory_space<vmem>>, vector<640x64xf32>
    tpu.vector_store %arg4[%swap3A, %swap3A_10], %add3A_9 {strides = array<i32>} : memref<640x64xf32, #tpu.memory_space<vmem>>, vector<640x64xf32>,
    return
  }
  func.func @transform_0(%arg0: i32) -> (i32, i32) {
    %c0_i32 = arith.constant 0 : i32
    %c0_i32_0 = arith.constant 0 : i32
    return %arg0, %c0_i32 : i32, i32
  }
  func.func @transform_1(%arg0: i32) -> (i32, i32) {
    %c0_i32 = arith.constant 0 : i32
    %c0_i32_0 = arith.constant 0 : i32
    %c0_i32_1 = arith.constant 0 : i32
    return %c0_i32, %c0_i32_0 : i32, i32
  }
  func.func @transform_2(%arg0: i32) -> (i32, i32) {
    %c0_i32 = arith.constant 0 : i32
    %c0_i32_0 = arith.constant 0 : i32
    %c0_i32_1 = arith.constant 0 : i32
    return %c0_i32, %c0_i32_0 : i32, i32
  }
  func.func @transform_3(%arg0: i32) -> (i32, i32) {
    %c0_i32 = arith.constant 0 : i32
    %c0_i32_0 = arith.constant 0 : i32
    return %arg0, %c0_i32 : i32, i32
  }
}

module attributes {stable_mosaic.version = 14 : i64} {
  func.func @body(%arg0: i32, %arg1: memref<640x128xf32, #tpu.memory_space<vmem>>, %arg2: memref<2x640x64xf32, #tpu.memory_space<vmem>>, %arg3: memref<2x640x8xf32, #tpu.memory_space<vmem>>, %arg4: memref<128x64xf32, #tpu.memory_space<vmem>>, %arg5: memref<64x64xf32, #tpu.memory_space<vmem>>, %arg6: memref<1x64xf32, #tpu.memory_space<vmem>>, %arg7: memref<64x32xf32, #tpu.memory_space<vmem>>, %arg8: memref<1x32xf32, #tpu.memory_space<vmem>>, %arg9: memref<640x64xf32, #tpu.memory_space<vmem>>, %arg10: memref<640x32xf32, #tpu.memory_space<vmem>>) attributes {dimension_semantics = [#tpu.dimension_semantics<arbitrary>], iteration_bounds = array<i64: 16>, scalar_prefetch = 0 : i64, scratch_operands = 0 : i64, tpu.core_type = #tpu.core_type<tc>, window_params = [{transform_indices = @transform_0, window_bounds = array<i64: 640, 128>}, {transform_indices = @transform_1, window_bounds = array<i64: 2, 640, 64>}, {transform_indices = @transform_2, window_bounds = array<i64: 2, 640, 8>}, {pipeline_mode = #tpu.pipeline_mode<synchronous>, transform_indices = @transform_3, window_bounds = array<i64: 128, 64>}, {pipeline_mode = #tpu.pipeline_mode<synchronous>, transform_indices = @transform_4, window_bounds = array<i64: 64, 64>}, {pipeline_mode = #tpu.pipeline_mode<synchronous>, transform_indices = @transform_5, window_bounds = array<i64: 1, 64>}, {pipeline_mode = #tpu.pipeline_mode<synchronous>, transform_indices = @transform_6, window_bounds = array<i64: 64, 32>}, {pipeline_mode = #tpu.pipeline_mode<synchronous>, transform_indices = @transform_7, window_bounds = array<i64: 1, 32>}, {transform_indices = @transform_8, window_bounds = array<i64: 640, 64>}, {transform_indices = @transform_9, window_bounds = array<i64: 640, 32>}]} {
    %get3A = arith.constant 0 : index
    %get3A_0 = arith.constant 0 : index
    %get3A_1 = arith.constant 0 : index
    %get3A_2 = vector.load %arg2[%get3A, %get3A_0, %get3A_1] : memref<2x640x64xf32, #tpu.memory_space<vmem>>, vector<1x640x64xf32>
    %get3A_3 = vector.shape_cast %get3A_2 : vector<1x640x64xf32> to vector<640x64xf32>
    %get3A_4 = arith.constant 1 : index
    %get3A_5 = arith.constant 0 : index
    %get3A_6 = arith.constant 0 : index
    %get3A_7 = vector.load %arg2[%get3A_4, %get3A_5, %get3A_6] : memref<2x640x64xf32, #tpu.memory_space<vmem>>, vector<1x640x64xf32>
    %get3A_8 = vector.shape_cast %get3A_7 : vector<1x640x64xf32> to vector<640x64xf32>
    %add3A = arith.addf %get3A_3, %get3A_8 : vector<640x64xf32>
    %get3A_9 = arith.constant 0 : index
    %get3A_10 = arith.constant 0 : index
    %get3A_11 = arith.constant 0 : index
    %get3A_12 = vector.load %arg3[%get3A_9, %get3A_10, %get3A_11] : memref<2x640x8xf32, #tpu.memory_space<vmem>>, vector<1x640x1xf32>
    %get3A_13 = vector.shape_cast %get3A_12 : vector<1x640x1xf32> to vector<640x1xf32>
    %get3A_14 = arith.constant 1 : index
    %get3A_15 = arith.constant 0 : index
    %get3A_16 = arith.constant 0 : index
    %get3A_17 = vector.load %arg3[%get3A_14, %get3A_15, %get3A_16] : memref<2x640x8xf32, #tpu.memory_space<vmem>>, vector<1x640x1xf32>
    %get3A_18 = vector.shape_cast %get3A_17 : vector<1x640x1xf32> to vector<640x1xf32>
    %add3A_19 = arith.addf %get3A_13, %get3A_18 : vector<640x1xf32>
    %max3A = arith.constant 1.000000e+00 : f32
    %max3A_20 = vector.broadcast %max3A : f32 to vector<640x1xf32>
    %max3A_21 = arith.maximumf %add3A_19, %max3A_20 : vector<640x1xf32>
    %div3A = arith.constant 1.000000e+00 : f32
    %div3A_22 = vector.broadcast %div3A : f32 to vector<640x1xf32>
    %div3A_23 = arith.divf %div3A_22, %max3A_21 : vector<640x1xf32>
    %mul3A = vector.broadcast %div3A_23 : vector<640x1xf32> to vector<640x64xf32>
    %mul3A_24 = arith.mulf %add3A, %mul3A : vector<640x64xf32>
    %get3A_25 = arith.constant 0 : index
    %get3A_26 = arith.constant 0 : index
    %get3A_27 = vector.load %arg1[%get3A_25, %get3A_26] : memref<640x128xf32, #tpu.memory_space<vmem>>, vector<640x128xf32>
    %get3A_28 = arith.constant 0 : index
    %get3A_29 = arith.constant 0 : index
    %get3A_30 = vector.load %arg4[%get3A_28, %get3A_29] : memref<128x64xf32, #tpu.memory_space<vmem>>, vector<128x64xf32>
    %dot_general3A = arith.constant dense<0.000000e+00> : vector<640x64xf32>
    %dot_general3A_31 = tpu.matmul %get3A_27, %get3A_30, %dot_general3A {dimension_numbers = #tpu.dot_dimension_numbers<[1], [0], [0], [1], [0, 0, 1, 1], [], []>, transpose_lhs_hint = false} : vector<640x128xf32>, vector<128x64xf32>, vector<640x64xf32> -> vector<640x64xf32>
    %get3A_32 = arith.constant 0 : index
    %get3A_33 = arith.constant 0 : index
    %get3A_34 = vector.load %arg5[%get3A_32, %get3A_33] : memref<64x64xf32, #tpu.memory_space<vmem>>, vector<64x64xf32>
    %dot_general3A_35 = arith.constant dense<0.000000e+00> : vector<640x64xf32>
    %dot_general3A_36 = tpu.matmul %mul3A_24, %get3A_34, %dot_general3A_35 {dimension_numbers = #tpu.dot_dimension_numbers<[1], [0], [0], [1], [0, 0, 1, 1], [], []>, transpose_lhs_hint = false} : vector<640x64xf32>, vector<64x64xf32>, vector<640x64xf32> -> vector<640x64xf32>
    %add3A_37 = arith.addf %dot_general3A_31, %dot_general3A_36 : vector<640x64xf32>
    %get3A_38 = arith.constant 0 : index
    %get3A_39 = arith.constant 0 : index
    %get3A_40 = vector.load %arg6[%get3A_38, %get3A_39] : memref<1x64xf32, #tpu.memory_space<vmem>>, vector<1x64xf32>
    %add3A_41 = vector.broadcast %get3A_40 : vector<1x64xf32> to vector<640x64xf32>
    %add3A_42 = arith.addf %add3A_37, %add3A_41 : vector<640x64xf32>
    %max3A_43 = arith.constant 0.000000e+00 : f32
    %max3A_44 = vector.broadcast %max3A_43 : f32 to vector<640x64xf32>
    %max3A_45 = arith.maximumf %add3A_42, %max3A_44 : vector<640x64xf32>
    %swap3A = arith.constant 0 : index
    %swap3A_46 = arith.constant 0 : index
    %swap3A_47 = vector.load %arg9[%swap3A, %swap3A_46] : memref<640x64xf32, #tpu.memory_space<vmem>>, vector<640x64xf32>
    tpu.vector_store %arg9[%swap3A, %swap3A_46], %max3A_45 {strides = array<i32>} : memref<640x64xf32, #tpu.memory_space<vmem>>, vector<640x64xf32>,
    %get3A_48 = arith.constant 0 : index
    %get3A_49 = arith.constant 0 : index
    %get3A_50 = vector.load %arg7[%get3A_48, %get3A_49] : memref<64x32xf32, #tpu.memory_space<vmem>>, vector<64x32xf32>
    %dot_general3A_51 = arith.constant dense<0.000000e+00> : vector<640x32xf32>
    %dot_general3A_52 = tpu.matmul %max3A_45, %get3A_50, %dot_general3A_51 {dimension_numbers = #tpu.dot_dimension_numbers<[1], [0], [0], [1], [0, 0, 1, 1], [], []>, transpose_lhs_hint = false} : vector<640x64xf32>, vector<64x32xf32>, vector<640x32xf32> -> vector<640x32xf32>
    %get3A_53 = arith.constant 0 : index
    %get3A_54 = arith.constant 0 : index
    %get3A_55 = vector.load %arg8[%get3A_53, %get3A_54] : memref<1x32xf32, #tpu.memory_space<vmem>>, vector<1x32xf32>
    %add3A_56 = vector.broadcast %get3A_55 : vector<1x32xf32> to vector<640x32xf32>
    %add3A_57 = arith.addf %dot_general3A_52, %add3A_56 : vector<640x32xf32>
    %swap3A_58 = arith.constant 0 : index
    %swap3A_59 = arith.constant 0 : index
    %swap3A_60 = vector.load %arg10[%swap3A_58, %swap3A_59] : memref<640x32xf32, #tpu.memory_space<vmem>>, vector<640x32xf32>
    tpu.vector_store %arg10[%swap3A_58, %swap3A_59], %add3A_57 {strides = array<i32>} : memref<640x32xf32, #tpu.memory_space<vmem>>, vector<640x32xf32>,
    return
  }
  func.func @transform_0(%arg0: i32) -> (i32, i32) {
    %c0_i32 = arith.constant 0 : i32
    %c0_i32_0 = arith.constant 0 : i32
    return %arg0, %c0_i32 : i32, i32
  }
  func.func @transform_1(%arg0: i32) -> (i32, i32, i32) {
    %c0_i32 = arith.constant 0 : i32
    %c0_i32_0 = arith.constant 0 : i32
    %c0_i32_1 = arith.constant 0 : i32
    return %c0_i32, %arg0, %c0_i32_0 : i32, i32, i32
  }
  func.func @transform_2(%arg0: i32) -> (i32, i32, i32) {
    %c0_i32 = arith.constant 0 : i32
    %c0_i32_0 = arith.constant 0 : i32
    %c0_i32_1 = arith.constant 0 : i32
    return %c0_i32, %arg0, %c0_i32_0 : i32, i32, i32
  }
  func.func @transform_3(%arg0: i32) -> (i32, i32) {
    %c0_i32 = arith.constant 0 : i32
    %c0_i32_0 = arith.constant 0 : i32
    %c0_i32_1 = arith.constant 0 : i32
    return %c0_i32, %c0_i32_0 : i32, i32
  }
  func.func @transform_4(%arg0: i32) -> (i32, i32) {
    %c0_i32 = arith.constant 0 : i32
    %c0_i32_0 = arith.constant 0 : i32
    %c0_i32_1 = arith.constant 0 : i32
    return %c0_i32, %c0_i32_0 : i32, i32
  }
  func.func @transform_5(%arg0: i32) -> (i32, i32) {
    %c0_i32 = arith.constant 0 : i32
    %c0_i32_0 = arith.constant 0 : i32
    %c0_i32_1 = arith.constant 0 : i32
    return %c0_i32, %c0_i32_0 : i32, i32
  }
  func.func @transform_6(%arg0: i32) -> (i32, i32) {
    %c0_i32 = arith.constant 0 : i32
    %c0_i32_0 = arith.constant 0 : i32
    %c0_i32_1 = arith.constant 0 : i32
    return %c0_i32, %c0_i32_0 : i32, i32
  }
  func.func @transform_7(%arg0: i32) -> (i32, i32) {
    %c0_i32 = arith.constant 0 : i32
    %c0_i32_0 = arith.constant 0 : i32
    %c0_i32_1 = arith.constant 0 : i32
    return %c0_i32, %c0_i32_0 : i32, i32
  }
  func.func @transform_8(%arg0: i32) -> (i32, i32) {
    %c0_i32 = arith.constant 0 : i32
    %c0_i32_0 = arith.constant 0 : i32
    return %arg0, %c0_i32 : i32, i32
  }
  func.func @transform_9(%arg0: i32) -> (i32, i32) {
    %c0_i32 = arith.constant 0 : i32
    %c0_i32_0 = arith.constant 0 : i32
    return %arg0, %c0_i32 : i32, i32
  }
}

module attributes {stable_mosaic.version = 14 : i64} {
  func.func @body(%arg0: i32, %arg1: memref<640x64xf32, #tpu.memory_space<vmem>>, %arg2: memref<2x640x32xf32, #tpu.memory_space<vmem>>, %arg3: memref<2x640x8xf32, #tpu.memory_space<vmem>>, %arg4: memref<64x32xf32, #tpu.memory_space<vmem>>, %arg5: memref<32x32xf32, #tpu.memory_space<vmem>>, %arg6: memref<1x32xf32, #tpu.memory_space<vmem>>, %arg7: memref<640x32xf32, #tpu.memory_space<vmem>>) attributes {dimension_semantics = [#tpu.dimension_semantics<arbitrary>], iteration_bounds = array<i64: 16>, scalar_prefetch = 0 : i64, scratch_operands = 0 : i64, tpu.core_type = #tpu.core_type<tc>, window_params = [{transform_indices = @transform_0, window_bounds = array<i64: 640, 64>}, {transform_indices = @transform_1, window_bounds = array<i64: 2, 640, 32>}, {transform_indices = @transform_2, window_bounds = array<i64: 2, 640, 8>}, {pipeline_mode = #tpu.pipeline_mode<synchronous>, transform_indices = @transform_3, window_bounds = array<i64: 64, 32>}, {pipeline_mode = #tpu.pipeline_mode<synchronous>, transform_indices = @transform_4, window_bounds = array<i64: 32, 32>}, {pipeline_mode = #tpu.pipeline_mode<synchronous>, transform_indices = @transform_5, window_bounds = array<i64: 1, 32>}, {transform_indices = @transform_6, window_bounds = array<i64: 640, 32>}]} {
    %get3A = arith.constant 0 : index
    %get3A_0 = arith.constant 0 : index
    %get3A_1 = arith.constant 0 : index
    %get3A_2 = vector.load %arg2[%get3A, %get3A_0, %get3A_1] : memref<2x640x32xf32, #tpu.memory_space<vmem>>, vector<1x640x32xf32>
    %get3A_3 = vector.shape_cast %get3A_2 : vector<1x640x32xf32> to vector<640x32xf32>
    %get3A_4 = arith.constant 1 : index
    %get3A_5 = arith.constant 0 : index
    %get3A_6 = arith.constant 0 : index
    %get3A_7 = vector.load %arg2[%get3A_4, %get3A_5, %get3A_6] : memref<2x640x32xf32, #tpu.memory_space<vmem>>, vector<1x640x32xf32>
    %get3A_8 = vector.shape_cast %get3A_7 : vector<1x640x32xf32> to vector<640x32xf32>
    %add3A = arith.addf %get3A_3, %get3A_8 : vector<640x32xf32>
    %get3A_9 = arith.constant 0 : index
    %get3A_10 = arith.constant 0 : index
    %get3A_11 = arith.constant 0 : index
    %get3A_12 = vector.load %arg3[%get3A_9, %get3A_10, %get3A_11] : memref<2x640x8xf32, #tpu.memory_space<vmem>>, vector<1x640x1xf32>
    %get3A_13 = vector.shape_cast %get3A_12 : vector<1x640x1xf32> to vector<640x1xf32>
    %get3A_14 = arith.constant 1 : index
    %get3A_15 = arith.constant 0 : index
    %get3A_16 = arith.constant 0 : index
    %get3A_17 = vector.load %arg3[%get3A_14, %get3A_15, %get3A_16] : memref<2x640x8xf32, #tpu.memory_space<vmem>>, vector<1x640x1xf32>
    %get3A_18 = vector.shape_cast %get3A_17 : vector<1x640x1xf32> to vector<640x1xf32>
    %add3A_19 = arith.addf %get3A_13, %get3A_18 : vector<640x1xf32>
    %max3A = arith.constant 1.000000e+00 : f32
    %max3A_20 = vector.broadcast %max3A : f32 to vector<640x1xf32>
    %max3A_21 = arith.maximumf %add3A_19, %max3A_20 : vector<640x1xf32>
    %div3A = arith.constant 1.000000e+00 : f32
    %div3A_22 = vector.broadcast %div3A : f32 to vector<640x1xf32>
    %div3A_23 = arith.divf %div3A_22, %max3A_21 : vector<640x1xf32>
    %mul3A = vector.broadcast %div3A_23 : vector<640x1xf32> to vector<640x32xf32>
    %mul3A_24 = arith.mulf %add3A, %mul3A : vector<640x32xf32>
    %get3A_25 = arith.constant 0 : index
    %get3A_26 = arith.constant 0 : index
    %get3A_27 = vector.load %arg1[%get3A_25, %get3A_26] : memref<640x64xf32, #tpu.memory_space<vmem>>, vector<640x64xf32>
    %get3A_28 = arith.constant 0 : index
    %get3A_29 = arith.constant 0 : index
    %get3A_30 = vector.load %arg4[%get3A_28, %get3A_29] : memref<64x32xf32, #tpu.memory_space<vmem>>, vector<64x32xf32>
    %dot_general3A = arith.constant dense<0.000000e+00> : vector<640x32xf32>
    %dot_general3A_31 = tpu.matmul %get3A_27, %get3A_30, %dot_general3A {dimension_numbers = #tpu.dot_dimension_numbers<[1], [0], [0], [1], [0, 0, 1, 1], [], []>, transpose_lhs_hint = false} : vector<640x64xf32>, vector<64x32xf32>, vector<640x32xf32> -> vector<640x32xf32>
    %get3A_32 = arith.constant 0 : index
    %get3A_33 = arith.constant 0 : index
    %get3A_34 = vector.load %arg5[%get3A_32, %get3A_33] : memref<32x32xf32, #tpu.memory_space<vmem>>, vector<32x32xf32>
    %dot_general3A_35 = arith.constant dense<0.000000e+00> : vector<640x32xf32>
    %dot_general3A_36 = tpu.matmul %mul3A_24, %get3A_34, %dot_general3A_35 {dimension_numbers = #tpu.dot_dimension_numbers<[1], [0], [0], [1], [0, 0, 1, 1], [], []>, transpose_lhs_hint = false} : vector<640x32xf32>, vector<32x32xf32>, vector<640x32xf32> -> vector<640x32xf32>
    %add3A_37 = arith.addf %dot_general3A_31, %dot_general3A_36 : vector<640x32xf32>
    %get3A_38 = arith.constant 0 : index
    %get3A_39 = arith.constant 0 : index
    %get3A_40 = vector.load %arg6[%get3A_38, %get3A_39] : memref<1x32xf32, #tpu.memory_space<vmem>>, vector<1x32xf32>
    %add3A_41 = vector.broadcast %get3A_40 : vector<1x32xf32> to vector<640x32xf32>
    %add3A_42 = arith.addf %add3A_37, %add3A_41 : vector<640x32xf32>
    %max3A_43 = arith.constant 0.000000e+00 : f32
    %max3A_44 = vector.broadcast %max3A_43 : f32 to vector<640x32xf32>
    %max3A_45 = arith.maximumf %add3A_42, %max3A_44 : vector<640x32xf32>
    %swap3A = arith.constant 0 : index
    %swap3A_46 = arith.constant 0 : index
    %swap3A_47 = vector.load %arg7[%swap3A, %swap3A_46] : memref<640x32xf32, #tpu.memory_space<vmem>>, vector<640x32xf32>
    tpu.vector_store %arg7[%swap3A, %swap3A_46], %max3A_45 {strides = array<i32>} : memref<640x32xf32, #tpu.memory_space<vmem>>, vector<640x32xf32>,
    return
  }
  func.func @transform_0(%arg0: i32) -> (i32, i32) {
    %c0_i32 = arith.constant 0 : i32
    %c0_i32_0 = arith.constant 0 : i32
    return %arg0, %c0_i32 : i32, i32
  }
  func.func @transform_1(%arg0: i32) -> (i32, i32, i32) {
    %c0_i32 = arith.constant 0 : i32
    %c0_i32_0 = arith.constant 0 : i32
    %c0_i32_1 = arith.constant 0 : i32
    return %c0_i32, %arg0, %c0_i32_0 : i32, i32, i32
  }
  func.func @transform_2(%arg0: i32) -> (i32, i32, i32) {
    %c0_i32 = arith.constant 0 : i32
    %c0_i32_0 = arith.constant 0 : i32
    %c0_i32_1 = arith.constant 0 : i32
    return %c0_i32, %arg0, %c0_i32_0 : i32, i32, i32
  }
  func.func @transform_3(%arg0: i32) -> (i32, i32) {
    %c0_i32 = arith.constant 0 : i32
    %c0_i32_0 = arith.constant 0 : i32
    %c0_i32_1 = arith.constant 0 : i32
    return %c0_i32, %c0_i32_0 : i32, i32
  }
  func.func @transform_4(%arg0: i32) -> (i32, i32) {
    %c0_i32 = arith.constant 0 : i32
    %c0_i32_0 = arith.constant 0 : i32
    %c0_i32_1 = arith.constant 0 : i32
    return %c0_i32, %c0_i32_0 : i32, i32
  }
  func.func @transform_5(%arg0: i32) -> (i32, i32) {
    %c0_i32 = arith.constant 0 : i32
    %c0_i32_0 = arith.constant 0 : i32
    %c0_i32_1 = arith.constant 0 : i32
    return %c0_i32, %c0_i32_0 : i32, i32
  }
  func.func @transform_6(%arg0: i32) -> (i32, i32) {
    %c0_i32 = arith.constant 0 : i32
    %c0_i32_0 = arith.constant 0 : i32
    return %arg0, %c0_i32 : i32, i32
  }
}

module attributes {stable_mosaic.version = 14 : i64} {
  func.func @final_body(%arg0: i32, %arg1: memref<640x32xf32, #tpu.memory_space<vmem>>, %arg2: memref<32x1xf32, #tpu.memory_space<vmem>>, %arg3: memref<1x1xf32, #tpu.memory_space<vmem>>, %arg4: memref<640x1xf32, #tpu.memory_space<vmem>>) attributes {dimension_semantics = [#tpu.dimension_semantics<arbitrary>], iteration_bounds = array<i64: 16>, scalar_prefetch = 0 : i64, scratch_operands = 0 : i64, tpu.core_type = #tpu.core_type<tc>, window_params = [{transform_indices = @transform_0, window_bounds = array<i64: 640, 32>}, {pipeline_mode = #tpu.pipeline_mode<synchronous>, transform_indices = @transform_1, window_bounds = array<i64: 32, 1>}, {pipeline_mode = #tpu.pipeline_mode<synchronous>, transform_indices = @transform_2, window_bounds = array<i64: 1, 1>}, {transform_indices = @transform_3, window_bounds = array<i64: 640, 1>}]} {
    %get3A = arith.constant 0 : index
    %get3A_0 = arith.constant 0 : index
    %get3A_1 = vector.load %arg1[%get3A, %get3A_0] : memref<640x32xf32, #tpu.memory_space<vmem>>, vector<640x32xf32>
    %get3A_2 = arith.constant 0 : index
    %get3A_3 = arith.constant 0 : index
    %get3A_4 = vector.load %arg2[%get3A_2, %get3A_3] : memref<32x1xf32, #tpu.memory_space<vmem>>, vector<32x1xf32>
    %dot_general3A = arith.constant dense<0.000000e+00> : vector<640x1xf32>
    %dot_general3A_5 = tpu.matmul %get3A_1, %get3A_4, %dot_general3A {dimension_numbers = #tpu.dot_dimension_numbers<[1], [0], [0], [1], [0, 0, 1, 1], [], []>, transpose_lhs_hint = false} : vector<640x32xf32>, vector<32x1xf32>, vector<640x1xf32> -> vector<640x1xf32>
    %get3A_6 = arith.constant 0 : index
    %get3A_7 = arith.constant 0 : index
    %get3A_8 = vector.load %arg3[%get3A_6, %get3A_7] : memref<1x1xf32, #tpu.memory_space<vmem>>, vector<1x1xf32>
    %add3A = vector.broadcast %get3A_8 : vector<1x1xf32> to vector<640x1xf32>
    %add3A_9 = arith.addf %dot_general3A_5, %add3A : vector<640x1xf32>
    %swap3A = arith.constant 0 : index
    %swap3A_10 = arith.constant 0 : index
    %swap3A_11 = vector.load %arg4[%swap3A, %swap3A_10] : memref<640x1xf32, #tpu.memory_space<vmem>>, vector<640x1xf32>
    tpu.vector_store %arg4[%swap3A, %swap3A_10], %add3A_9 {strides = array<i32>} : memref<640x1xf32, #tpu.memory_space<vmem>>, vector<640x1xf32>,
    return
  }
  func.func @transform_0(%arg0: i32) -> (i32, i32) {
    %c0_i32 = arith.constant 0 : i32
    %c0_i32_0 = arith.constant 0 : i32
    return %arg0, %c0_i32 : i32, i32
  }
  func.func @transform_1(%arg0: i32) -> (i32, i32) {
    %c0_i32 = arith.constant 0 : i32
    %c0_i32_0 = arith.constant 0 : i32
    %c0_i32_1 = arith.constant 0 : i32
    return %c0_i32, %c0_i32_0 : i32, i32
  }
  func.func @transform_2(%arg0: i32) -> (i32, i32) {
    %c0_i32 = arith.constant 0 : i32
    %c0_i32_0 = arith.constant 0 : i32
    %c0_i32_1 = arith.constant 0 : i32
    return %c0_i32, %c0_i32_0 : i32, i32
  }
  func.func @transform_3(%arg0: i32) -> (i32, i32) {
    %c0_i32 = arith.constant 0 : i32
    %c0_i32_0 = arith.constant 0 : i32
    return %arg0, %c0_i32 : i32, i32
  }
}

</mosaic_0001>

<sc_bundles>
// kernel: kernel.11.cloned.1.call-start
scs
__scs_entry_jumppad:
0x0: {  	(pc) =	sbr.rel $0x88, $3  }
0x1: {  	(tag) =	ssettag $0x0;
	lr =	simm.s32 $0x1  }
0x2: {  	[smem:$0x3F95] =	sst lr;
	_ =	strace $0xD0000000  }
0x3: {  	_ = 	snop  }
0x4: {  	_ = 	snop  }
0x5: {  	_ = 	snop  }
0x6: {  	_ = 	snop  }
0x7: {  	_ = 	snop  }
__scs_overlays_trampoline_lowered:
0x8: {  	[smem:$0x3FA4] =	sst s0  }
0x9: {  	[smem:$0x3FA5] =	sst s1  }
0xa: {  	[smem:$0x3FA6] =	sst s2  }
0xb: {  	[smem:$0x3FA7] =	sst s3  }
0xc: {  	[smem:$0x3FA8] =	sst s4  }
0xd: {  	[smem:$0x3FA9] =	sst s5  }
0xe: {  	[smem:$0x3FAA] =	sst s6  }
0xf: {  	[smem:$0x3FAB] =	sst s7  }
0x10: {  	[smem:$0x3FAC] =	sst s8  }
0x11: {  	[smem:$0x3FAD] =	sst s9;
	s0 =	simm.s32 @!p0 $0x0  }
0x12: {  	s1 =	sld [smem:$0x3F93];
	s0 =	simm.s32 @p0 $0x1  }
0x13: {  	[smem:$0x3FAE] =	sst s0;
	s0 =	simm.s32 @!p1 $0x0  }
0x14: {  	s2 =	sld [smem:$0x3F92];
	s0 =	simm.s32 @p1 $0x1  }
0x15: {  	[smem:$0x3FAF] =	sst s0;
	s0 =	simm.s32 @!p2 $0x0  }
0x16: {  	s3 =	sld [smem:$0x3FDB];
	s0 =	simm.s32 @p2 $0x1  }
0x17: {  	s4 =	simm.s32 $0x1BF5;
	[smem:$0x3FB1] =	sst s0  }
0x18: {  	s0 =	sld [smem:$0x3F94];
	_ =	swait.ge [sflag:s4], $0x0  }
0x19: {  	s7 =	sld [smem:$0x3F95]  }
0x1a: {  	s8 =	sadd.s32 $0xFFFFE003, lr  }
0x1b: {  	s9 =	sadd.s32 $0xFFFFFEF7, lr;
	s5 =	simm.s32 $0xFFFFFFFF;
	p2 =	slt.u32 s8, $0xFFFFF086  }
0x1c: {  	p1 =	slt.u32 s9, $0xF7A;
	s5 =	simm.s32 @!p2 $0x0  }
0x1d: {  	s5 =	simm.s32 @p1 $0x1;
	p0 =	seq.s32 s7, s2  }
0x1e: {  	s7 =	smul.u32 @!p0 $0xF7A, s2;
	p2 =	seq.s32 @!p0 s5, $0x0  }
0x1f: {  	s9 =	smul.u32 $0xF7A, s1;
	s8 =	simm.s32 @!p0 $0x1BF5;
	p2 =	por !p2, p0  }
0x20: {  	[sflag:s8] =	ssyncset.s32 @!p0 $0xFFFFF086;
	s6 =	sadd.s32 @!p0 s3, s7;
	s7 =	simm.s32 @!p0 $0x108  }
0x21: {  	s3 =	sadd.s32 s3, s9;
	s6 =	sadd.s32 @!p0 $0x88, s6;
	s7 =	simm.s32 @p2 $0x1082  }
0x22: {  	[simem:s7], [sflag:s8] =	dma.local @!p0 [hbm:s6], $0xF7A  }
0x23: {  	s9 =	sor.u32 $0xD0000000, s2;
	s6 =	simm.s32 $0x108;
	_ =	swait.ge @!p0 [sflag:s8], $0x0  }
0x24: {  	s3 =	sadd.s32 $0x88, s3;
	s6 =	simm.s32 @!p1 $0x1082;
	[sflag:s4] =	ssyncset.s32 $0xFFFFF086  }
0x25: {  	[simem:s6], [sflag:s4] =	dma.local [hbm:s3], $0xF7A  }
0x26: {  	[smem:$0x3F95] =	sst s1;
	(tag) =	ssettag s2;
	_ =	strace s9  }
0x27: {  	s1 =	sld [smem:$0x3FA5]  }
0x28: {  	s2 =	sld [smem:$0x3FA6]  }
0x29: {  	s4 =	sld [smem:$0x3FA8]  }
0x2a: {  	p0 =	seq.s32 s5, $0x0;
	s5 =	sld [smem:$0x3FA9]  }
0x2b: {  	s6 =	sld [smem:$0x3FAA]  }
0x2c: {  	s7 =	sld [smem:$0x3FAB]  }
0x2d: {  	s3 =	simm.s32 $0x108;
	s8 =	sld [smem:$0x3FAC]  }
0x2e: {  	s3 =	simm.s32 @!p0 $0x1082;
	s9 =	sld [smem:$0x3FAD]  }
0x2f: {  	lr =	sadd.s32 s0, s3;
	s0 =	sld [smem:$0x3FA4]  }
0x30: {  	s3 =	sld [smem:$0x3FA7]  }
0x31: {  	[smem:$0x3FB0] =	sst s10  }
0x32: {  	s10 =	sld [smem:$0x3FAE];
	_ =	sdelay $0x3  }
0x33: {  	p0 =	seq.s32 s10, $0x1;
	s10 =	sld [smem:$0x3FB0];
	_ =	sdelay $0x3  }
0x34: {  	[smem:$0x3FB0] =	sst s10  }
0x35: {  	s10 =	sld [smem:$0x3FAF];
	_ =	sdelay $0x3  }
0x36: {  	p1 =	seq.s32 s10, $0x1;
	s10 =	sld [smem:$0x3FB0];
	_ =	sdelay $0x3  }
0x37: {  	[smem:$0x3FB0] =	sst s10  }
0x38: {  	s10 =	sld [smem:$0x3FB1]  }
0x39: {  	_ = 	snop;
	(pc) =	sbr.ind lr, $3  }
0x3a: {  	_ = 	snop  }
0x3b: {  	_ = 	snop  }
0x3c: {  	p2 =	seq.s32 s10, $0x1;
	s10 =	sld [smem:$0x3FB0]  }
0x3d: {  	_ =	shalt  }
0x3e: {  	_ =	shalt  }
0x3f: {  	_ =	shalt  }
0x40: {  	_ =	shalt  }
0x41: {  	_ =	shalt  }
0x42: {  	_ =	shalt  }
0x43: {  	_ =	shalt  }
0x44: {  	_ =	shalt  }
0x45: {  	_ =	shalt  }
0x46: {  	_ =	shalt  }
0x47: {  	_ =	shalt  }
0x48: {  	_ =	shalt  }
0x49: {  	_ =	shalt  }
0x4a: {  	_ =	shalt  }
0x4b: {  	_ =	shalt  }
0x4c: {  	_ =	shalt  }
0x4d: {  	_ =	shalt  }
0x4e: {  	_ =	shalt  }
0x4f: {  	_ =	shalt  }
0x50: {  	_ =	shalt  }
0x51: {  	_ =	shalt  }
0x52: {  	_ =	shalt  }
0x53: {  	_ =	shalt  }
0x54: {  	_ =	shalt  }
0x55: {  	_ =	shalt  }
0x56: {  	_ =	shalt  }
0x57: {  	_ =	shalt  }
0x58: {  	_ =	shalt  }
0x59: {  	_ =	shalt  }
0x5a: {  	_ =	shalt  }
0x5b: {  	_ =	shalt  }
0x5c: {  	_ =	shalt  }
0x5d: {  	_ =	shalt  }
0x5e: {  	_ =	shalt  }
0x5f: {  	_ =	shalt  }
0x60: {  	_ =	shalt  }
0x61: {  	_ =	shalt  }
0x62: {  	_ =	shalt  }
0x63: {  	_ =	shalt  }
0x64: {  	_ =	shalt  }
0x65: {  	_ =	shalt  }
0x66: {  	_ =	shalt  }
0x67: {  	_ =	shalt  }
0x68: {  	_ =	shalt  }
0x69: {  	_ =	shalt  }
0x6a: {  	_ =	shalt  }
0x6b: {  	_ =	shalt  }
0x6c: {  	_ =	shalt  }
0x6d: {  	_ =	shalt  }
0x6e: {  	_ =	shalt  }
0x6f: {  	_ =	shalt  }
0x70: {  	_ =	shalt  }
0x71: {  	_ =	shalt  }
0x72: {  	_ =	shalt  }
0x73: {  	_ =	shalt  }
0x74: {  	_ =	shalt  }
0x75: {  	_ =	shalt  }
0x76: {  	_ =	shalt  }
0x77: {  	_ =	shalt  }
0x78: {  	_ =	shalt  }
0x79: {  	_ =	shalt  }
0x7a: {  	_ =	shalt  }
0x7b: {  	_ =	shalt  }
0x7c: {  	_ =	shalt  }
0x7d: {  	_ =	shalt  }
0x7e: {  	_ =	shalt  }
0x7f: {  	_ =	shalt  }
0x80: {  	_ =	shalt  }
0x81: {  	_ =	shalt  }
0x82: {  	_ =	shalt  }
0x83: {  	_ =	shalt  }
0x84: {  	_ =	shalt  }
0x85: {  	_ =	shalt  }
0x86: {  	_ =	shalt  }
0x87: {  	_ =	shalt  }
.Lfunc_end0:
.L_simem_size_0:
called_computation.1_lowered:
.L_overlay_start_0:
0x88: {  	s2 =	sld [smem:$0x3FD9]  }
0x89: {  	s3 =	sld [smem:$0x3FFE];
	_ =	sdelay $0x1  }
0x8a: {  	s1 =	srdreg.scid  }
0x8b: {  	s0 =	sand.u32 $0x1, s1  }
0x8c: {  	s16 =	sshll.u32 s0, $0xA;
	s2 =	sadd.s32 s3, s2  }
0x8d: {  	s2 =	sadd.s32 s2, s16  }
0x8e: {  	[smem:$0x3FBC] =	sst s2  }
0x8f: {  	_ = 	snop  }
0x90: {  	(tm) =	ssettm $0x1  }
0x91: {  	s17 =	sld [smem:$0x3FFB];
	_ =	sdelay $0x3  }
0x92: {  	_ =	strace s17  }
0x93: {  	s2 =	sld [smem:$0x3FFC];
	_ =	sdelay $0x3  }
0x94: {  	_ =	strace s2  }
0x95: {  	s2 =	sld [smem:$0x3FFD];
	_ =	sdelay $0x3  }
0x96: {  	_ =	strace s2  }
0x97: {  	_ =	strace $0x8FFFFFFF  }
0x98: {  	s18 =	sld [smem:$0x3FDB];
	_ =	sdelay $0x1  }
0x99: {  	s19 =	simm.s32 $_scs_section_size  }
0x9a: {  	s4 =	simm.s32 $_size__tile_overlayer_lowered;
	s5 =	simm.s32 $_tile_overlayer_lowered  }
0x9b: {  	s22 =	simm.s32 $0x1BFF;
	s21 =	sshll.u32 s5, $0x1;
	s2 =	sadd.s32 s19, s18  }
0x9c: {  	s6 =	simm.s32 $0x0;
	s20 =	sshll.u32 s4, $0x1;
	s4 =	sadd.s32 s21, s2  }
0x9d: {  	[timem:s6], [sflag:s22] =	dma.local [hbm:s4], s20  }
0x9e: {  	_ =	swait.ge [sflag:s22], s20  }
0x9f: {  	s3 =	ssub.s32 $0x0, s20;
	[sflag:s22] =	ssyncset.done $0x0  }
0xa0: {  	[sflag:s22] =	ssyncadd.s32 s3;
	_ =	sdelay $0x1  }
0xa1: {  	s23 =	simm.s32 $0x1B8B  }
0xa2: {  	_ =	swait.ge [sflag:s23], $0x1  }
0xa3: {  	[sflag:s23] =	ssyncset.done $0x0  }
0xa4: {  	s25 =	simm.s32 $0x1B8E;
	s24 =	sld [smem:$0x3FFE];
	[sflag:s23] =	ssyncadd.s32 $0xFFFFFFFF  }
0xa5: {  	s26 =	simm.s32 $execute0_lowered;
	[smem:$0x3FD2] =	sst s25  }
0xa6: {  	s4 =	sshll.u32 s26, $0x1;
	_ =	strace $0x80000049;
	[dreg:$0x1] =	wrdreg $0xFFFFFFFF  }
0xa7: {  	s28 =	simm.s32 $_size_execute0_lowered;
	s2 =	sadd.s32 s2, s4;
	[dreg:$0x0] =	wrdreg $0x0  }
0xa8: {  	s4 =	sshll.u32 s28, $0x1;
	[dreg:$0x2] =	wrdreg s2  }
0xa9: {  	[dreg:$0x3] =	wrdreg s4  }
0xaa: {  	[dreg:$0x4] =	wrdreg $0xC0  }
0xab: {  	_ =	task [dreg:s6], $0x5FFFF  }
0xac: {  	[dreg:$0x1] =	wrdreg $0xFFFFFFFF  }
0xad: {  	[dreg:$0x0] =	wrdreg $0x60  }
0xae: {  	[dreg:$0x2] =	wrdreg s24  }
0xaf: {  	[dreg:$0x3] =	wrdreg $0x5F000  }
0xb0: {  	[dreg:$0x4] =	wrdreg $0x9  }
0xb1: {  	_ =	task.clear_ibuf [dreg:s6], $0x5FFFF;
	_ =	strace $0x90000049  }
0xb2: {  	s29 =	simm.s32 $0x9;
	_ =	strace $0x8000004B  }
0xb3: {  	_ =	swait.ge [sflag:s29], $0x1  }
0xb4: {  	[sflag:s29] =	ssyncadd.s32 $0xFFFFFFFF  }
0xb5: {  	_ =	strace $0x9000004B  }
0xb6: {  	_ =	sfence  }
0xb7: {  	s30 =	sld [smem:$0x0];
	_ =	sdelay $0x2  }
0xb8: {  	s31 =	sshll.u32 s1, $0xD;
	s1 =	sshrl.u32 s1, $0x2  }
0xb9: {  	s3 =	sand.u32 $0x4000, s31;
	s1 =	sadd.s32 s1, s30  }
0xba: {  	s0 =	sor.u32 s3, s0;
	s1 =	sshll.u32 s1, $0x11  }
0xbb: {  	s0 =	sor.u32 s1, s0  }
0xbc: {  	s0 =	sadd.s32 $0x8F2B, s0  }
0xbd: {  	[sflag:s0] =	ssyncadd.remote.s32 $0x1  }
0xbe: {  	_ =	sfence.sel $0xFFFF  }
0xbf: {  	[dreg:$0x0] =	wrdreg $0xFFFFFFFF;
	(pc) =	sbr.abs _section_cstart, $3  }
0xc0: {  	[dreg:$0x1] =	wrdreg $0xFFFFFFFF  }
0xc1: {  	_ =	task.clear_ibuf [dreg:s6], $0x2FFFF;
	_ =	strace $0x9FFFFFFF  }
0xc2: {  	(tm) =	ssettm $0x7FFFFFFF  }
0xc3: {  	_ =	shalt  }
tec
execute0_lowered:
.L_overlay_start_1:
0x0: {  	(tag) =	ssettag $0x1  }
0x1: {  	s1 =	srdreg.scid  }
0x2: {  	s0 =	stileid.u32;
	s6 =	rddreg [dreg:$0x0]  }
0x3: {  	s2 =	rddreg [dreg:$0x1];
	s3 =	simm.s32 $0x0;
	s14 =	simm.s32 $0x80  }
0x4: {  	s15 =	simm.s32 $0x4F00;
	s16 =	simm.s32 $0x1;
	s17 =	simm.s32 $0x0  }
0x5: {  	s5 =	sand.u32 $0x1, s1;
	s28 =	sshll.u32 s0, $0x1;
	s8 =	smul.u32 $0x5000, s0  }
0x6: {  	[smem:$0x7FF] =	sst s3;
	s4 =	sadd.s32 $0x2200, s6;
	s31 =	sshll.u32 s0, $0x6  }
0x7: {  	s1 =	sor.u32 s5, s28;
	s9 =	smul.u32 $0x50000, s5;
	s5 =	ssub.s32 $0x2, s5  }
0x8: {  	s7 =	smul.u32 $0x4F0, s1;
	s1 =	rddreg [dreg:$0x2];
	_ =	strace $0x8000004A  }
0x9: {  	s30 =	sshrl.u32 s8, $0x3;
	s11 =	sshrl.u32 s5, $0x1;
	s13 =	sadd.s32 s8, s2  }
0xa: {  	s29 =	sadd.s32 s8, s9;
	s9 =	sadd.s32 s30, s6;
	s11 =	ssub.s32 s5, s11  }
0xb: {  	s10 =	sadd.s32 s7, s6;
	s7 =	sshrl.u32 s29, $0x3;
	s5 =	sadd.s32 $0xC200, s9  }
0xc: {  	s12 =	sadd.s32 s7, s6;
	s6 =	sor.u32 $0x1C02, s31;
	s7 =	sadd.s32 $0x20000, s10  }
0xd: {  	s8 =	sadd.s32 $0x16200, s10;
	s10 =	smax.u32 s11, $0x1;
	s11 =	sshrl.u32 s13, $0x3  }
0xe: {  	s13 =	simm.s32 $0x2780;
	s9 =	sadd.s32 $0x29E00, s12;
	s12 =	simm.s32 $0x2  }
.LBB2_1:
0xf: {  	[spmem:s11], [sflag:s6] =	dma.local [hbm:s5], $0xA00  }
0x10: {  	_ =	swait.ge [sflag:s12], $0xA00  }
0x11: {  	[sflag:s12] =	ssyncset.done $0x0  }
0x12: {  	[sflag:s12] =	ssyncadd.s32 $0xFFFFF600  }
0x13: {  	[tilespmem:s3], [sflag:$0x2] =	stream.linear.gather [hbm4b:s7+s3], $0x2780, $0x38;
	[tilespmem:$0xAF00] =	vst v63  }
0x14: {  	_ =	swait.ge [sflag:s12], $0x2780  }
0x15: {  	[sflag:s12] =	ssyncset.done $0x0  }
0x16: {  	[sflag:s12] =	ssyncadd.s32 $0xFFFFD880  }
0x17: {  	[tilespmem:s13], [sflag:$0x2] =	stream.linear.gather [hbm4b:s8+s3], $0x2780, $0x38;
	[tilespmem:$0xAF00] =	vst v63  }
0x18: {  	_ =	swait.ge [sflag:s12], $0x2780  }
0x19: {  	[sflag:s12] =	ssyncset.done $0x0  }
0x1a: {  	[sflag:s12] =	ssyncadd.s32 $0xFFFFD880  }
0x1b: {  	s18 =	simm.s32 $0x0;
	[bflag:$0x0] =	sbarrier.arrive $0xFFFF  }
0x1c: {  	[tilespmem:s15], [sflag:$0x1] =	stream.indirect.gather [hbm4b:s4+s14], $0x20, s18, s14, $0xb8;
	[tilespmem:$0xAF00] =	vst v63  }
0x1d: {  	_ =	swait.ge [sflag:s16], $0x1000  }
0x1e: {  	[sflag:s16] =	ssyncset.done $0x0  }
0x1f: {  	s31 =	simm.s32 $0x2780;
	[sflag:s16] =	ssyncadd.s32 $0xFFFFF000  }
0x20: {  	[spmem:s2] =	stream.indirect.scatter.add.f32 [tilespmem:s15], [sflag:$0x2], $0x20, s31, s14, $0xb8;
	[tilespmem:$0xAF00] =	vst v63  }
0x21: {  	_ =	swait.ge [sflag:s12], $0x1000  }
0x22: {  	s19 =	simm.s32 $0x400;
	s18 =	simm.s32 $0x200;
	[sflag:s12] =	ssyncset.done $0x0  }
.LBB2_2:
0x23: {  	s20 =	sshra.s32 s18, $0x2  }
0x24: {  	[sflag:s12] =	ssyncadd.s32 $0xFFFFF000;
	s18 =	smov.u32 s19;
	s21 =	sadd.s32 $0x200, s19  }
0x25: {  	[tilespmem:s15], [sflag:$0x1] =	stream.indirect.gather [hbm4b:s4+s14], $0x20, s20, s14, $0xb8;
	[tilespmem:$0xAF00] =	vst v63  }
0x26: {  	p0 =	sne.s32 s19, $0x9C00;
	_ =	swait.ge [sflag:s16], $0x1000  }
.Ltmp0:
0x27: {  	[sflag:s16] =	ssyncset.done $0x0;
	(pc) =	sbr.rel @p0 .LBB2_2-.Ltmp0, $4  }
0x28: {  	s19 =	sadd.s32 $0x2780, s20;
	[sflag:s16] =	ssyncadd.s32 $0xFFFFF000  }
0x29: {  	[spmem:s2] =	stream.indirect.scatter.add.f32 [tilespmem:s15], [sflag:$0x2], $0x20, s19, s14, $0xb8;
	[tilespmem:$0xAF00] =	vst v63  }
0x2a: {  	_ =	swait.ge [sflag:s12], $0x1000  }
0x2b: {  	s19 =	smov.u32 s21;
	[sflag:s12] =	ssyncset.done $0x0  }
0x2c: {  	s18 =	sshra.s32 s18, $0x2;
	[sflag:s12] =	ssyncadd.s32 $0xFFFFF000  }
0x2d: {  	[tilespmem:s15], [sflag:$0x1] =	stream.indirect.gather [hbm4b:s4+s14], $0x20, s18, s14, $0xb8;
	[tilespmem:$0xAF00] =	vst v63  }
0x2e: {  	_ =	swait.ge [sflag:s16], $0x1000  }
0x2f: {  	[sflag:s16] =	ssyncset.done $0x0  }
0x30: {  	s18 =	sadd.s32 $0x2780, s18;
	[sflag:s16] =	ssyncadd.s32 $0xFFFFF000  }
0x31: {  	[spmem:s2] =	stream.indirect.scatter.add.f32 [tilespmem:s15], [sflag:$0x2], $0x20, s18, s14, $0xb8;
	[tilespmem:$0xAF00] =	vst v63  }
0x32: {  	_ =	swait.ge [sflag:s12], $0x1000  }
0x33: {  	s17 =	sadd.s32 $0x1, s17;
	[sflag:s12] =	ssyncset.done $0x0  }
0x34: {  	p0 =	sne.s32 s17, s10;
	[sflag:s12] =	ssyncadd.s32 $0xFFFFF000  }
.Ltmp1:
0x35: {  	[bflag:$0x0] =	sbarrier.arrive $0xFFFF;
	(pc) =	sbr.rel @p0 .LBB2_1-.Ltmp1, $4  }
0x36: {  	[hbm:s9], [sflag:s6] =	dma.local [spmem:s11], $0xA00  }
0x37: {  	_ =	swait.ge [sflag:s12], $0xA00  }
0x38: {  	[sflag:s12] =	ssyncset.done $0x0  }
0x39: {  	[sflag:s12] =	ssyncadd.s32 $0xFFFFF600  }
0x3a: {  	_ =	sfence.sel $0x180000  }
0x3b: {  	[bflag:$0x0] =	sbarrier.arrive $0xFFFF  }
0x3c: {  	p0 =	sne.s32 s0, $0x0;
	_ =	strace $0x9000004A  }
0x3d: {  	s0 =	sadd.s32 @!p0 $0x100000, s1;
	[bflag:$0x2] =	sbarrier.arrive $0xFFFF  }
0x3e: {  	[sflag:s0] =	ssyncadd.tile.s32 @!p0 $0x1;
	_ =	shalt  }
.Lfunc_end2:
_tile_overlayer_lowered:
.L_overlay_start_2:
0x3f: {  	(tag) =	ssettag $0x2  }
0x40: {  	s0 =	rddreg [dreg:$0x0];
	s2 =	stileid.u32  }
0x41: {  	s1 =	rddreg [dreg:$0x1];
	p0 =	sne.s32 s2, $0x0  }
0x42: {  	s3 =	rddreg [dreg:$0x2];
	[bflag:$0x3] =	sbarrier.arrive $0xFFFF;
	s2 =	simm.s32 @!p0 $0x1C02  }
0x43: {  	[timem:s3], [sflag:s2] =	dma.local @!p0 [hbm:s0], s1  }
0x44: {  	s0 =	simm.s32 @!p0 $0x2  }
0x45: {  	_ =	swait.ge @!p0 [sflag:s0], s1  }
0x46: {  	s1 =	ssub.s32 @!p0 $0x0, s1;
	[sflag:s0] =	ssyncset.done @!p0 $0x0  }
0x47: {  	[sflag:s0] =	ssyncadd.s32 @!p0 s1  }
0x48: {  	[bflag:$0x3] =	sbarrier.arrive $0xFFFF  }
0x49: {  	_ =	shalt  }

// kernel: kernel.8.cloned.1.call-start
scs
__scs_entry_jumppad:
0x0: {  	(pc) =	sbr.rel $0x88, $3  }
0x1: {  	(tag) =	ssettag $0x0;
	lr =	simm.s32 $0x1  }
0x2: {  	[smem:$0x3F95] =	sst lr;
	_ =	strace $0xD0000000  }
0x3: {  	_ = 	snop  }
0x4: {  	_ = 	snop  }
0x5: {  	_ = 	snop  }
0x6: {  	_ = 	snop  }
0x7: {  	_ = 	snop  }
__scs_overlays_trampoline_lowered:
0x8: {  	[smem:$0x3FA4] =	sst s0  }
0x9: {  	[smem:$0x3FA5] =	sst s1  }
0xa: {  	[smem:$0x3FA6] =	sst s2  }
0xb: {  	[smem:$0x3FA7] =	sst s3  }
0xc: {  	[smem:$0x3FA8] =	sst s4  }
0xd: {  	[smem:$0x3FA9] =	sst s5  }
0xe: {  	[smem:$0x3FAA] =	sst s6  }
0xf: {  	[smem:$0x3FAB] =	sst s7  }
0x10: {  	[smem:$0x3FAC] =	sst s8  }
0x11: {  	[smem:$0x3FAD] =	sst s9;
	s0 =	simm.s32 @!p0 $0x0  }
0x12: {  	s1 =	sld [smem:$0x3F93];
	s0 =	simm.s32 @p0 $0x1  }
0x13: {  	[smem:$0x3FAE] =	sst s0;
	s0 =	simm.s32 @!p1 $0x0  }
0x14: {  	s2 =	sld [smem:$0x3F92];
	s0 =	simm.s32 @p1 $0x1  }
0x15: {  	[smem:$0x3FAF] =	sst s0;
	s0 =	simm.s32 @!p2 $0x0  }
0x16: {  	s3 =	sld [smem:$0x3FDB];
	s0 =	simm.s32 @p2 $0x1  }
0x17: {  	s4 =	simm.s32 $0x1BF5;
	[smem:$0x3FB1] =	sst s0  }
0x18: {  	s0 =	sld [smem:$0x3F94];
	_ =	swait.ge [sflag:s4], $0x0  }
0x19: {  	s7 =	sld [smem:$0x3F95]  }
0x1a: {  	s8 =	sadd.s32 $0xFFFFE003, lr  }
0x1b: {  	s9 =	sadd.s32 $0xFFFFFEF7, lr;
	s5 =	simm.s32 $0xFFFFFFFF;
	p2 =	slt.u32 s8, $0xFFFFF086  }
0x1c: {  	p1 =	slt.u32 s9, $0xF7A;
	s5 =	simm.s32 @!p2 $0x0  }
0x1d: {  	s5 =	simm.s32 @p1 $0x1;
	p0 =	seq.s32 s7, s2  }
0x1e: {  	s7 =	smul.u32 @!p0 $0xF7A, s2;
	p2 =	seq.s32 @!p0 s5, $0x0  }
0x1f: {  	s9 =	smul.u32 $0xF7A, s1;
	s8 =	simm.s32 @!p0 $0x1BF5;
	p2 =	por !p2, p0  }
0x20: {  	[sflag:s8] =	ssyncset.s32 @!p0 $0xFFFFF086;
	s6 =	sadd.s32 @!p0 s3, s7;
	s7 =	simm.s32 @!p0 $0x108  }
0x21: {  	s3 =	sadd.s32 s3, s9;
	s6 =	sadd.s32 @!p0 $0x88, s6;
	s7 =	simm.s32 @p2 $0x1082  }
0x22: {  	[simem:s7], [sflag:s8] =	dma.local @!p0 [hbm:s6], $0xF7A  }
0x23: {  	s9 =	sor.u32 $0xD0000000, s2;
	s6 =	simm.s32 $0x108;
	_ =	swait.ge @!p0 [sflag:s8], $0x0  }
0x24: {  	s3 =	sadd.s32 $0x88, s3;
	s6 =	simm.s32 @!p1 $0x1082;
	[sflag:s4] =	ssyncset.s32 $0xFFFFF086  }
0x25: {  	[simem:s6], [sflag:s4] =	dma.local [hbm:s3], $0xF7A  }
0x26: {  	[smem:$0x3F95] =	sst s1;
	(tag) =	ssettag s2;
	_ =	strace s9  }
0x27: {  	s1 =	sld [smem:$0x3FA5]  }
0x28: {  	s2 =	sld [smem:$0x3FA6]  }
0x29: {  	s4 =	sld [smem:$0x3FA8]  }
0x2a: {  	p0 =	seq.s32 s5, $0x0;
	s5 =	sld [smem:$0x3FA9]  }
0x2b: {  	s6 =	sld [smem:$0x3FAA]  }
0x2c: {  	s7 =	sld [smem:$0x3FAB]  }
0x2d: {  	s3 =	simm.s32 $0x108;
	s8 =	sld [smem:$0x3FAC]  }
0x2e: {  	s3 =	simm.s32 @!p0 $0x1082;
	s9 =	sld [smem:$0x3FAD]  }
0x2f: {  	lr =	sadd.s32 s0, s3;
	s0 =	sld [smem:$0x3FA4]  }
0x30: {  	s3 =	sld [smem:$0x3FA7]  }
0x31: {  	[smem:$0x3FB0] =	sst s10  }
0x32: {  	s10 =	sld [smem:$0x3FAE];
	_ =	sdelay $0x3  }
0x33: {  	p0 =	seq.s32 s10, $0x1;
	s10 =	sld [smem:$0x3FB0];
	_ =	sdelay $0x3  }
0x34: {  	[smem:$0x3FB0] =	sst s10  }
0x35: {  	s10 =	sld [smem:$0x3FAF];
	_ =	sdelay $0x3  }
0x36: {  	p1 =	seq.s32 s10, $0x1;
	s10 =	sld [smem:$0x3FB0];
	_ =	sdelay $0x3  }
0x37: {  	[smem:$0x3FB0] =	sst s10  }
0x38: {  	s10 =	sld [smem:$0x3FB1]  }
0x39: {  	_ = 	snop;
	(pc) =	sbr.ind lr, $3  }
0x3a: {  	_ = 	snop  }
0x3b: {  	_ = 	snop  }
0x3c: {  	p2 =	seq.s32 s10, $0x1;
	s10 =	sld [smem:$0x3FB0]  }
0x3d: {  	_ =	shalt  }
0x3e: {  	_ =	shalt  }
0x3f: {  	_ =	shalt  }
0x40: {  	_ =	shalt  }
0x41: {  	_ =	shalt  }
0x42: {  	_ =	shalt  }
0x43: {  	_ =	shalt  }
0x44: {  	_ =	shalt  }
0x45: {  	_ =	shalt  }
0x46: {  	_ =	shalt  }
0x47: {  	_ =	shalt  }
0x48: {  	_ =	shalt  }
0x49: {  	_ =	shalt  }
0x4a: {  	_ =	shalt  }
0x4b: {  	_ =	shalt  }
0x4c: {  	_ =	shalt  }
0x4d: {  	_ =	shalt  }
0x4e: {  	_ =	shalt  }
0x4f: {  	_ =	shalt  }
0x50: {  	_ =	shalt  }
0x51: {  	_ =	shalt  }
0x52: {  	_ =	shalt  }
0x53: {  	_ =	shalt  }
0x54: {  	_ =	shalt  }
0x55: {  	_ =	shalt  }
0x56: {  	_ =	shalt  }
0x57: {  	_ =	shalt  }
0x58: {  	_ =	shalt  }
0x59: {  	_ =	shalt  }
0x5a: {  	_ =	shalt  }
0x5b: {  	_ =	shalt  }
0x5c: {  	_ =	shalt  }
0x5d: {  	_ =	shalt  }
0x5e: {  	_ =	shalt  }
0x5f: {  	_ =	shalt  }
0x60: {  	_ =	shalt  }
0x61: {  	_ =	shalt  }
0x62: {  	_ =	shalt  }
0x63: {  	_ =	shalt  }
0x64: {  	_ =	shalt  }
0x65: {  	_ =	shalt  }
0x66: {  	_ =	shalt  }
0x67: {  	_ =	shalt  }
0x68: {  	_ =	shalt  }
0x69: {  	_ =	shalt  }
0x6a: {  	_ =	shalt  }
0x6b: {  	_ =	shalt  }
0x6c: {  	_ =	shalt  }
0x6d: {  	_ =	shalt  }
0x6e: {  	_ =	shalt  }
0x6f: {  	_ =	shalt  }
0x70: {  	_ =	shalt  }
0x71: {  	_ =	shalt  }
0x72: {  	_ =	shalt  }
0x73: {  	_ =	shalt  }
0x74: {  	_ =	shalt  }
0x75: {  	_ =	shalt  }
0x76: {  	_ =	shalt  }
0x77: {  	_ =	shalt  }
0x78: {  	_ =	shalt  }
0x79: {  	_ =	shalt  }
0x7a: {  	_ =	shalt  }
0x7b: {  	_ =	shalt  }
0x7c: {  	_ =	shalt  }
0x7d: {  	_ =	shalt  }
0x7e: {  	_ =	shalt  }
0x7f: {  	_ =	shalt  }
0x80: {  	_ =	shalt  }
0x81: {  	_ =	shalt  }
0x82: {  	_ =	shalt  }
0x83: {  	_ =	shalt  }
0x84: {  	_ =	shalt  }
0x85: {  	_ =	shalt  }
0x86: {  	_ =	shalt  }
0x87: {  	_ =	shalt  }
.Lfunc_end0:
.L_simem_size_0:
called_computation_lowered:
.L_overlay_start_0:
0x88: {  	s2 =	sld [smem:$0x3FD9]  }
0x89: {  	s3 =	sld [smem:$0x3FFE];
	_ =	sdelay $0x1  }
0x8a: {  	s1 =	srdreg.scid  }
0x8b: {  	s0 =	sand.u32 $0x1, s1  }
0x8c: {  	s17 =	sshll.u32 s0, $0xA;
	s2 =	sadd.s32 s3, s2  }
0x8d: {  	s2 =	sadd.s32 s2, s17  }
0x8e: {  	[smem:$0x3FBC] =	sst s2  }
0x8f: {  	_ = 	snop  }
0x90: {  	s2 =	sld [smem:$0x3FD0];
	(tm) =	ssettm $0x1  }
0x91: {  	s18 =	sld [smem:$0x3FFB];
	_ =	sdelay $0x3  }
0x92: {  	_ =	strace s18  }
0x93: {  	s3 =	sld [smem:$0x3FFC];
	_ =	sdelay $0x3  }
0x94: {  	_ =	strace s3  }
0x95: {  	s3 =	sld [smem:$0x3FFD];
	_ =	sdelay $0x3  }
0x96: {  	_ =	strace s3  }
0x97: {  	_ =	strace $0x8FFFFFFF  }
0x98: {  	s19 =	sld [smem:$0x3FDB];
	_ =	sdelay $0x1  }
0x99: {  	s4 =	simm.s32 $_scs_section_size  }
0x9a: {  	s5 =	simm.s32 $_size__tile_overlayer_lowered;
	s6 =	simm.s32 $_tile_overlayer_lowered  }
0x9b: {  	s22 =	simm.s32 $0x1BFF;
	s21 =	sshll.u32 s6, $0x1;
	s3 =	sadd.s32 s4, s19  }
0x9c: {  	s7 =	simm.s32 $0x0;
	s20 =	sshll.u32 s5, $0x1;
	s5 =	sadd.s32 s21, s3  }
0x9d: {  	[timem:s7], [sflag:s22] =	dma.local [hbm:s5], s20  }
0x9e: {  	_ =	swait.ge [sflag:s22], s20  }
0x9f: {  	s4 =	ssub.s32 $0x0, s20;
	[sflag:s22] =	ssyncset.done $0x0  }
0xa0: {  	[sflag:s22] =	ssyncadd.s32 s4;
	_ =	sdelay $0x1  }
0xa1: {  	s23 =	simm.s32 $0x1B8B  }
0xa2: {  	_ =	swait.ge [sflag:s23], $0x1  }
0xa3: {  	[sflag:s23] =	ssyncset.done $0x0  }
0xa4: {  	s25 =	simm.s32 $0x1B8E;
	s24 =	sld [smem:$0x3FFE];
	[sflag:s23] =	ssyncadd.s32 $0xFFFFFFFF  }
0xa5: {  	s26 =	simm.s32 $execute0_lowered;
	[smem:$0x3FD2] =	sst s25  }
0xa6: {  	s5 =	sshll.u32 s26, $0x1;
	_ =	strace $0x80000046;
	[dreg:$0x1] =	wrdreg $0xFFFFFFFF  }
0xa7: {  	s28 =	simm.s32 $_size_execute0_lowered;
	s3 =	sadd.s32 s3, s5;
	[dreg:$0x0] =	wrdreg $0x0  }
0xa8: {  	s5 =	sshll.u32 s28, $0x1;
	[dreg:$0x2] =	wrdreg s3  }
0xa9: {  	[dreg:$0x3] =	wrdreg s5  }
0xaa: {  	[dreg:$0x4] =	wrdreg $0xC0  }
0xab: {  	_ =	task [dreg:s7], $0x5FFFF  }
0xac: {  	[dreg:$0x1] =	wrdreg $0xFFFFFFFF  }
0xad: {  	[dreg:$0x0] =	wrdreg $0x60  }
0xae: {  	[dreg:$0x2] =	wrdreg s24  }
0xaf: {  	[dreg:$0x3] =	wrdreg s2  }
0xb0: {  	[dreg:$0x4] =	wrdreg $0x6F000  }
0xb1: {  	[dreg:$0x5] =	wrdreg $0x113000  }
0xb2: {  	[dreg:$0x6] =	wrdreg $0x9  }
0xb3: {  	_ =	task.clear_ibuf [dreg:s7], $0x7FFFF;
	_ =	strace $0x90000046  }
0xb4: {  	s29 =	simm.s32 $0x9;
	_ =	strace $0x80000048  }
0xb5: {  	_ =	swait.ge [sflag:s29], $0x1  }
0xb6: {  	[sflag:s29] =	ssyncadd.s32 $0xFFFFFFFF  }
0xb7: {  	_ =	strace $0x90000048  }
0xb8: {  	_ =	sfence  }
0xb9: {  	s30 =	sld [smem:$0x0];
	_ =	sdelay $0x2  }
0xba: {  	s31 =	sshll.u32 s1, $0xD;
	s1 =	sshrl.u32 s1, $0x2  }
0xbb: {  	s3 =	sand.u32 $0x4000, s31;
	s1 =	sadd.s32 s1, s30  }
0xbc: {  	s0 =	sor.u32 s3, s0;
	s1 =	sshll.u32 s1, $0x11  }
0xbd: {  	s0 =	sor.u32 s1, s0  }
0xbe: {  	s0 =	sadd.s32 $0x8F2B, s0  }
0xbf: {  	[sflag:s0] =	ssyncadd.remote.s32 $0x1  }
0xc0: {  	_ =	sfence.sel $0xFFFF  }
0xc1: {  	[dreg:$0x0] =	wrdreg $0xFFFFFFFF;
	(pc) =	sbr.abs _section_cstart, $3  }
0xc2: {  	[dreg:$0x1] =	wrdreg $0xFFFFFFFF  }
0xc3: {  	_ =	task.clear_ibuf [dreg:s7], $0x2FFFF;
	_ =	strace $0x9FFFFFFF  }
0xc4: {  	(tm) =	ssettm $0x7FFFFFFF  }
0xc5: {  	_ =	shalt  }
tec
execute0_lowered:
.L_overlay_start_1:
0x0: {  	(tag) =	ssettag $0x1  }
0x1: {  	s7 =	rddreg [dreg:$0x0]  }
0x2: {  	s2 =	srdreg.scid;
	s1 =	rddreg [dreg:$0x1]  }
0x3: {  	s0 =	stileid.u32;
	s3 =	rddreg [dreg:$0x2]  }
0x4: {  	s4 =	rddreg [dreg:$0x3];
	s5 =	simm.s32 $0x0;
	s19 =	simm.s32 $0x2780  }
0x5: {  	s20 =	simm.s32 $0x80;
	s21 =	simm.s32 $0x4F00;
	s22 =	simm.s32 $0x1  }
0x6: {  	s23 =	simm.s32 $0x0;
	s8 =	sand.u32 $0x1, s2;
	s10 =	smul.u32 $0xA000, s0  }
0x7: {  	s26 =	sshll.u32 s0, $0x1;
	[smem:$0x7FF] =	sst s5;
	s11 =	smul.u32 $0x1400, s0  }
0x8: {  	s6 =	sadd.s32 $0x2200, s7;
	s31 =	sshll.u32 s0, $0x6;
	s12 =	smul.u32 $0xA0000, s8  }
0x9: {  	s2 =	sor.u32 s8, s26;
	s14 =	smul.u32 $0x14000, s8;
	s8 =	ssub.s32 $0x2, s8  }
0xa: {  	s9 =	smul.u32 $0x4F0, s2;
	s2 =	rddreg [dreg:$0x4];
	_ =	strace $0x80000047  }
0xb: {  	s13 =	sshrl.u32 s10, $0x3;
	s29 =	sshrl.u32 s11, $0x3;
	s30 =	sshrl.u32 s8, $0x1  }
0xc: {  	s17 =	sadd.s32 s10, s3;
	s18 =	sadd.s32 s11, s4;
	s28 =	sadd.s32 s13, s7  }
0xd: {  	s13 =	sadd.s32 s29, s7;
	s12 =	sadd.s32 s10, s12;
	s14 =	sadd.s32 s11, s14  }
0xe: {  	s16 =	ssub.s32 s8, s30;
	s8 =	sor.u32 $0x1C02, s31;
	s15 =	sadd.s32 s9, s7  }
0xf: {  	s12 =	sshrl.u32 s12, $0x3;
	s14 =	sshrl.u32 s14, $0x3;
	s9 =	sadd.s32 $0x3DE00, s13  }
0x10: {  	s12 =	sadd.s32 s12, s7;
	s14 =	sadd.s32 s14, s7;
	s7 =	sadd.s32 $0x29E00, s28  }
0x11: {  	s10 =	sadd.s32 $0x20000, s15;
	s11 =	sadd.s32 $0x16200, s15;
	s15 =	sshrl.u32 s17, $0x3  }
0x12: {  	s17 =	sshrl.u32 s18, $0x3;
	s18 =	simm.s32 $0x10F00;
	s12 =	sadd.s32 $0x45600, s12  }
0x13: {  	s13 =	sadd.s32 $0x40600, s14;
	s14 =	smax.u32 s16, $0x1;
	s16 =	simm.s32 $0x2  }
.LBB2_1:
0x14: {  	[spmem:s15], [sflag:s8] =	dma.local [hbm:s7], $0x1400  }
0x15: {  	_ =	swait.ge [sflag:s16], $0x1400  }
0x16: {  	[sflag:s16] =	ssyncset.done $0x0  }
0x17: {  	[sflag:s16] =	ssyncadd.s32 $0xFFFFEC00  }
0x18: {  	[spmem:s17], [sflag:s8] =	dma.local [hbm:s9], $0x280  }
0x19: {  	_ =	swait.ge [sflag:s16], $0x280  }
0x1a: {  	[sflag:s16] =	ssyncset.done $0x0  }
0x1b: {  	[sflag:s16] =	ssyncadd.s32 $0xFFFFFD80  }
0x1c: {  	[tilespmem:s18], [sflag:$0x2] =	stream.linear.gather [hbm4b:s1+s5], $0x400, $0x38;
	[tilespmem:$0x12700] =	vst v63  }
0x1d: {  	_ =	swait.ge [sflag:s16], $0x400  }
0x1e: {  	[sflag:s16] =	ssyncset.done $0x0  }
0x1f: {  	[sflag:s16] =	ssyncadd.s32 $0xFFFFFC00  }
0x20: {  	[tilespmem:s5], [sflag:$0x2] =	stream.linear.gather [hbm4b:s10+s5], $0x2780, $0x38;
	[tilespmem:$0x12700] =	vst v63  }
0x21: {  	_ =	swait.ge [sflag:s16], $0x2780  }
0x22: {  	[sflag:s16] =	ssyncset.done $0x0  }
0x23: {  	[sflag:s16] =	ssyncadd.s32 $0xFFFFD880  }
0x24: {  	[tilespmem:s19], [sflag:$0x2] =	stream.linear.gather [hbm4b:s11+s5], $0x2780, $0x38;
	[tilespmem:$0x12700] =	vst v63  }
0x25: {  	_ =	swait.ge [sflag:s16], $0x2780  }
0x26: {  	[sflag:s16] =	ssyncset.done $0x0  }
0x27: {  	[sflag:s16] =	ssyncadd.s32 $0xFFFFD880  }
0x28: {  	s24 =	simm.s32 $0x0;
	[bflag:$0x0] =	sbarrier.arrive $0xFFFF  }
0x29: {  	[tilespmem:s21], [sflag:$0x1] =	stream.indirect.gather [hbm4b:s6+s20], $0x40, s24, s20, $0xb8;
	[tilespmem:$0x12700] =	vst v63  }
0x2a: {  	_ =	swait.ge [sflag:s22], $0x2000  }
0x2b: {  	[sflag:s22] =	ssyncset.done $0x0  }
0x2c: {  	s31 =	simm.s32 $0x2780;
	[sflag:s22] =	ssyncadd.s32 $0xFFFFE000  }
0x2d: {  	[spmem:s3] =	stream.indirect.scatter.add.f32 [tilespmem:s21], [sflag:$0x2], $0x40, s31, s20, $0xb8;
	[tilespmem:$0x12700] =	vst v63  }
0x2e: {  	_ =	swait.ge [sflag:s16], $0x2000  }
0x2f: {  	[sflag:s16] =	ssyncset.done $0x0  }
0x30: {  	[sflag:s16] =	ssyncadd.s32 $0xFFFFE000  }
0x31: {  	[spmem:s4] =	stream.indirect.scatter.add.f32 [tilespmem:s18], [sflag:$0x2], $0x8, s31, s20, $0xb8;
	[tilespmem:$0x12700] =	vst v63  }
0x32: {  	_ =	swait.ge [sflag:s16], $0x400  }
0x33: {  	s25 =	simm.s32 $0x400;
	s24 =	simm.s32 $0x200;
	[sflag:s16] =	ssyncset.done $0x0  }
.LBB2_2:
0x34: {  	s26 =	sshra.s32 s24, $0x2  }
0x35: {  	[sflag:s16] =	ssyncadd.s32 $0xFFFFFC00;
	s24 =	smov.u32 s25;
	s28 =	sadd.s32 $0x200, s25  }
0x36: {  	[tilespmem:s21], [sflag:$0x1] =	stream.indirect.gather [hbm4b:s6+s20], $0x40, s26, s20, $0xb8;
	[tilespmem:$0x12700] =	vst v63  }
0x37: {  	p0 =	sne.s32 s25, $0x9C00;
	_ =	swait.ge [sflag:s22], $0x2000  }
0x38: {  	[sflag:s22] =	ssyncset.done $0x0  }
0x39: {  	s25 =	sadd.s32 $0x2780, s26;
	[sflag:s22] =	ssyncadd.s32 $0xFFFFE000  }
0x3a: {  	[spmem:s3] =	stream.indirect.scatter.add.f32 [tilespmem:s21], [sflag:$0x2], $0x40, s25, s20, $0xb8;
	[tilespmem:$0x12700] =	vst v63  }
0x3b: {  	_ =	swait.ge [sflag:s16], $0x2000  }
.Ltmp0:
0x3c: {  	[sflag:s16] =	ssyncset.done $0x0;
	(pc) =	sbr.rel @p0 .LBB2_2-.Ltmp0, $4  }
0x3d: {  	[sflag:s16] =	ssyncadd.s32 $0xFFFFE000  }
0x3e: {  	[spmem:s4] =	stream.indirect.scatter.add.f32 [tilespmem:s18], [sflag:$0x2], $0x8, s25, s20, $0xb8;
	[tilespmem:$0x12700] =	vst v63  }
0x3f: {  	_ =	swait.ge [sflag:s16], $0x400  }
0x40: {  	s25 =	smov.u32 s28;
	[sflag:s16] =	ssyncset.done $0x0  }
0x41: {  	s24 =	sshra.s32 s24, $0x2;
	[sflag:s16] =	ssyncadd.s32 $0xFFFFFC00  }
0x42: {  	[tilespmem:s21], [sflag:$0x1] =	stream.indirect.gather [hbm4b:s6+s20], $0x40, s24, s20, $0xb8;
	[tilespmem:$0x12700] =	vst v63  }
0x43: {  	_ =	swait.ge [sflag:s22], $0x2000  }
0x44: {  	[sflag:s22] =	ssyncset.done $0x0  }
0x45: {  	s24 =	sadd.s32 $0x2780, s24;
	[sflag:s22] =	ssyncadd.s32 $0xFFFFE000  }
0x46: {  	[spmem:s3] =	stream.indirect.scatter.add.f32 [tilespmem:s21], [sflag:$0x2], $0x40, s24, s20, $0xb8;
	[tilespmem:$0x12700] =	vst v63  }
0x47: {  	_ =	swait.ge [sflag:s16], $0x2000  }
0x48: {  	[sflag:s16] =	ssyncset.done $0x0  }
0x49: {  	[sflag:s16] =	ssyncadd.s32 $0xFFFFE000  }
0x4a: {  	[spmem:s4] =	stream.indirect.scatter.add.f32 [tilespmem:s18], [sflag:$0x2], $0x8, s24, s20, $0xb8;
	[tilespmem:$0x12700] =	vst v63  }
0x4b: {  	_ =	swait.ge [sflag:s16], $0x400  }
0x4c: {  	[sflag:s16] =	ssyncset.done $0x0  }
0x4d: {  	[sflag:s16] =	ssyncadd.s32 $0xFFFFFC00  }
0x4e: {  	[bflag:$0x0] =	sbarrier.arrive $0xFFFF  }
0x4f: {  	[hbm:s12], [sflag:s8] =	dma.local [spmem:s15], $0x1400  }
0x50: {  	s23 =	sadd.s32 $0x1, s23;
	_ =	swait.ge [sflag:s16], $0x1400  }
0x51: {  	p0 =	sne.s32 s23, s14;
	[sflag:s16] =	ssyncset.done $0x0  }
.Ltmp1:
0x52: {  	[sflag:s16] =	ssyncadd.s32 $0xFFFFEC00;
	(pc) =	sbr.rel @p0 .LBB2_1-.Ltmp1, $4  }
0x53: {  	[hbm:s13], [sflag:s8] =	dma.local [spmem:s17], $0x280  }
0x54: {  	_ =	swait.ge [sflag:s16], $0x280  }
0x55: {  	[sflag:s16] =	ssyncset.done $0x0  }
0x56: {  	[sflag:s16] =	ssyncadd.s32 $0xFFFFFD80  }
0x57: {  	_ =	sfence.sel $0x180000  }
0x58: {  	[bflag:$0x0] =	sbarrier.arrive $0xFFFF  }
0x59: {  	p0 =	sne.s32 s0, $0x0;
	_ =	strace $0x90000047  }
0x5a: {  	s0 =	sadd.s32 @!p0 $0x100000, s2;
	[bflag:$0x2] =	sbarrier.arrive $0xFFFF  }
0x5b: {  	[sflag:s0] =	ssyncadd.tile.s32 @!p0 $0x1;
	_ =	shalt  }
.Lfunc_end2:
_tile_overlayer_lowered:
.L_overlay_start_2:
0x5c: {  	(tag) =	ssettag $0x2  }
0x5d: {  	s0 =	rddreg [dreg:$0x0];
	s2 =	stileid.u32  }
0x5e: {  	s1 =	rddreg [dreg:$0x1];
	p0 =	sne.s32 s2, $0x0  }
0x5f: {  	s3 =	rddreg [dreg:$0x2];
	[bflag:$0x3] =	sbarrier.arrive $0xFFFF;
	s2 =	simm.s32 @!p0 $0x1C02  }
0x60: {  	[timem:s3], [sflag:s2] =	dma.local @!p0 [hbm:s0], s1  }
0x61: {  	s0 =	simm.s32 @!p0 $0x2  }
0x62: {  	_ =	swait.ge @!p0 [sflag:s0], s1  }
0x63: {  	s1 =	ssub.s32 @!p0 $0x0, s1;
	[sflag:s0] =	ssyncset.done @!p0 $0x0  }
0x64: {  	[sflag:s0] =	ssyncadd.s32 @!p0 s1  }
0x65: {  	[bflag:$0x3] =	sbarrier.arrive $0xFFFF  }
0x66: {  	_ =	shalt  }

</sc_bundles>
